<compile_context>
chip_gen: v7x
topology: tpu7x:2x2x1
jax: 0.10.2.dev20260603
libtpu: 0.0.44.dev20260713+nightly
codegen_flags: <defaults>
</compile_context>

<pallas_src>
import functools

import jax
import jax.numpy as jnp
from jax import lax
from jax.experimental import pallas as pl
from jax.experimental.pallas import tpu as pltpu
from jax.experimental.pallas import tpu_sc as plsc

WIDTH = 128
NUM_WORKERS = 32
SUB = 128
K = 2
CHUNK = SUB * K
NBUF = 2


def _make_gather(m_rows):
    per_w = m_rows // NUM_WORKERS
    n_ch = per_w // CHUNK
    assert per_w % (CHUNK * NBUF) == 0
    mesh = plsc.VectorSubcoreMesh(core_axis_name="c", subcore_axis_name="s")

    @functools.partial(
        pl.kernel,
        out_type=jax.ShapeDtypeStruct((m_rows, WIDTH), jnp.float32),
        mesh=mesh,
        scratch_types=[
            pltpu.VMEM((NBUF, K, SUB), jnp.int32),
            pltpu.VMEM((NBUF, CHUNK, WIDTH), jnp.float32),
            pltpu.SemaphoreType.DMA,
            pltpu.SemaphoreType.DMA,
            pltpu.SemaphoreType.DMA,
        ],
        compiler_params=pltpu.CompilerParams(use_tc_tiling_on_sc=True),
    )
    def k(table_hbm, idx_hbm, out_hbm, idx_v, rows_v, gsem, osem0, osem1):
        osems = (osem0, osem1)
        wid = lax.axis_index("s") * 2 + lax.axis_index("c")
        base = wid * (per_w // SUB)

        def outer(t, carry):
            for b in range(NBUF):
                row0 = base + (t * NBUF + b) * K

                @pl.when(t > 0)
                def _wait_prev_scatter():
                    pltpu.make_async_copy(
                        rows_v.at[b], out_hbm.at[pl.ds(0, CHUNK)], osems[b]
                    ).wait()

                pltpu.sync_copy(idx_hbm.at[pl.ds(row0, K)], idx_v.at[b])
                descs = [
                    pltpu.async_copy(
                        table_hbm.at[idx_v.at[b].at[j]],
                        rows_v.at[b].at[pl.ds(j * SUB, SUB)],
                        gsem,
                    )
                    for j in range(K)
                ]
                for d in descs:
                    d.wait()
                pltpu.async_copy(
                    rows_v.at[b], out_hbm.at[pl.ds(row0 * SUB, CHUNK)], osems[b]
                )
            return carry

        lax.fori_loop(0, n_ch // NBUF, outer, 0)
        for b in range(NBUF):
            pltpu.make_async_copy(
                rows_v.at[b], out_hbm.at[pl.ds(0, CHUNK)], osems[b]
            ).wait()

    return k


def kernel(cumulative_positions, position_embeddings):
    b, h = cumulative_positions.shape
    n = b * h
    v = position_embeddings.shape[0]
    d = position_embeddings.shape[1]
    flat = cumulative_positions.astype(jnp.int32).reshape(n)
    pair_idx = flat[0::2] * v + flat[1::2]
    left = jnp.broadcast_to(position_embeddings[:, None, :], (v, v, d))
    right = jnp.broadcast_to(position_embeddings[None, :, :], (v, v, d))
    t2 = jnp.concatenate([left, right], axis=-1).reshape(v * v, 2 * d)
    idx2d = pair_idx.reshape(n // 2 // SUB, SUB)
    out = _make_gather(n // 2)(t2, idx2d)
    return out.reshape(b, h, d)

# --- scband reference (transcript-rebuilt; emitter-appended) ---
"""Pipeline reference for scband-temporal-positional-embedding-27410481283305 (READ-ONLY COPY).

The authoritative reference and input builder live on the scoring server;
editing this copy changes nothing except your own understanding.
"""

import jax, jax.numpy as jnp
import numpy as np

D_MODEL = 64
MAX_POSITION = 200
BATCH = 4096
HIST_LEN = 200

def setup_inputs(seed: int = 0) -> dict:
    key = jax.random.key(seed)
    k_idx, k_tab = jax.random.split(key)
    cumulative_positions = jax.random.randint(k_idx, (BATCH, HIST_LEN), 0, MAX_POSITION + 1, dtype=jnp.int64 if jax.config.jax_enable_x64 else jnp.int32)
    # nn.Embedding weight: (max_position + 1, d_model), default init N(0,1)
    position_embeddings = jax.random.normal(k_tab, (MAX_POSITION + 1, D_MODEL), dtype=jnp.float32)
    return {"cumulative_positions": cumulative_positions, "position_embeddings": position_embeddings}

def reference(cumulative_positions, position_embeddings):
    # embeddings = self.position_embeddings(cumulative_positions)
    embeddings = jnp.take(position_embeddings, cumulative_positions, axis=0)
    return embeddings

if __name__ == "__main__":
    import jax
    _d = setup_inputs()
    print(jax.jit(kernel)(*tuple(_d.values())))

</pallas_src>

<mosaic_0001>
#map = affine_map<(d0, d1) -> (0, 0)>
module attributes {stable_mosaic.version = 14 : i64} {
  func.func @k(%arg0: i32, %arg1: i32, %arg2: memref<40401x128xf32, #tpu.memory_space<hbm>>, %arg3: memref<3200x128xi32, #tpu.memory_space<hbm>>, %arg4: memref<409600x128xf32, #tpu.memory_space<hbm>>, %arg5: memref<2x2x128xi32, #tpu.memory_space<vmem>>, %arg6: memref<2x256x128xf32, #tpu.memory_space<vmem>>, %arg7: memref<!tpu.dma_semaphore, #tpu.memory_space<semaphore_mem>>, %arg8: memref<!tpu.dma_semaphore, #tpu.memory_space<semaphore_mem>>, %arg9: memref<!tpu.dma_semaphore, #tpu.memory_space<semaphore_mem>>) attributes {dimension_semantics = [#tpu.dimension_semantics<core_parallel>, #tpu.dimension_semantics<subcore_parallel>], iteration_bounds = array<i64: 2, 16>, scalar_prefetch = 0 : i64, scratch_operands = 5 : i64, tpu.core_type = #tpu.core_type<sc_vector_subcore>, window_params = [{transform_indices = #map}, {transform_indices = #map}, {transform_indices = #map}]} {
    %mul3A = arith.constant 2 : i32
    %mul3A_0 = arith.muli %arg1, %mul3A : i32
    %add3A = arith.addi %mul3A_0, %arg0 : i32
    %mul3A_1 = arith.constant 100 : i32
    %mul3A_2 = arith.muli %add3A, %mul3A_1 : i32
    %scan3A = arith.constant 0 : i32
    %scan3A_3 = arith.constant 0 : i32
    %scan3A_4 = arith.constant 25 : i32
    %scan3A_5 = arith.addi %scan3A_3, %scan3A_4 : i32
    %scan3A_6 = arith.constant 1 : i32
    scf.for %scan3A_37 = %scan3A_3 to %scan3A_5 step %scan3A_6  : i32 {
      %mul3A_38 = arith.constant 2 : i32
      %mul3A_39 = arith.muli %scan3A_37, %mul3A_38 : i32
      %add3A_40 = arith.constant 0 : i32
      %add3A_41 = arith.addi %mul3A_39, %add3A_40 : i32
      %mul3A_42 = arith.constant 2 : i32
      %mul3A_43 = arith.muli %add3A_41, %mul3A_42 : i32
      %add3A_44 = arith.addi %mul3A_2, %mul3A_43 : i32
      %gt3A = arith.constant 0 : i32
      %gt3A_45 = arith.cmpi sgt, %scan3A_37, %gt3A : i32
      %convert_element_type3A = arith.extui %gt3A_45 : i1 to i32
      %cond3A = arith.constant 0 : i32
      %cond3A_46 = arith.cmpi ne, %convert_element_type3A, %cond3A : i32
      scf.if %cond3A_46 {
        %dma_wait3A_249 = arith.constant 0 : i32
        %dma_wait3A_250 = arith.constant 0 : i32
        %dma_wait3A_251 = arith.constant 0 : i32
        %dma_wait3A_252 = tpu.memref_slice %arg6[%dma_wait3A_249, %dma_wait3A_250, %dma_wait3A_251] : memref<2x256x128xf32, #tpu.memory_space<vmem>> -> memref<1x256x128xf32, #tpu.memory_space<vmem>>
        %dma_wait3A_253 = tpu.memref_squeeze %dma_wait3A_252 : memref<1x256x128xf32, #tpu.memory_space<vmem>> -> memref<256x128xf32, #tpu.memory_space<vmem>>
        %dma_wait3A_254 = arith.constant 0 : i32
        %dma_wait3A_255 = arith.constant 0 : i32
        %dma_wait3A_256 = tpu.memref_slice %arg4[%dma_wait3A_254, %dma_wait3A_255] : memref<409600x128xf32, #tpu.memory_space<hbm>> -> memref<256x128xf32, #tpu.memory_space<hbm>>
        %dma_wait3A_257 = arith.constant 0 : i32
        %dma_wait3A_258 = arith.constant 0 : i32
        %dma_wait3A_259 = tpu.memref_slice %arg4[%dma_wait3A_257, %dma_wait3A_258] : memref<409600x128xf32, #tpu.memory_space<hbm>> -> memref<256x128xf32, #tpu.memory_space<hbm>>
        %dma_wait3A_260 = arith.constant 0 : i32
        %dma_wait3A_261 = arith.constant 0 : i32
        %dma_wait3A_262 = tpu.memref_slice %arg6[%dma_wait3A_249, %dma_wait3A_260, %dma_wait3A_261] : memref<2x256x128xf32, #tpu.memory_space<vmem>> -> memref<1x256x128xf32, #tpu.memory_space<vmem>>
        %dma_wait3A_263 = tpu.memref_squeeze %dma_wait3A_262 : memref<1x256x128xf32, #tpu.memory_space<vmem>> -> memref<256x128xf32, #tpu.memory_space<vmem>>
        tpu.wait_dma2 semaphore(%arg8 : memref<!tpu.dma_semaphore, #tpu.memory_space<semaphore_mem>>) src(%dma_wait3A_263 : memref<256x128xf32, #tpu.memory_space<vmem>>) dst(%dma_wait3A_259 : memref<256x128xf32, #tpu.memory_space<hbm>>)
      } else {
      }
      %run_scoped3A = arith.constant 0 : i32
      "tpu.region"() ({
        %run_scoped3A_249 = tpu.sem_alloc : memref<!tpu.dma_semaphore, #tpu.memory_space<semaphore_mem>>
        %dma_start3A_250 = arith.constant 0 : i32
        %dma_start3A_251 = arith.constant 0 : i32
        %dma_start3A_252 = tpu.memref_slice %arg5[%run_scoped3A, %dma_start3A_250, %dma_start3A_251] : memref<2x2x128xi32, #tpu.memory_space<vmem>> -> memref<1x2x128xi32, #tpu.memory_space<vmem>>
        %dma_start3A_253 = tpu.memref_squeeze %dma_start3A_252 : memref<1x2x128xi32, #tpu.memory_space<vmem>> -> memref<2x128xi32, #tpu.memory_space<vmem>>
        %dma_start3A_254 = arith.constant 0 : i32
        %dma_start3A_255 = tpu.memref_slice %arg3[%add3A_44, %dma_start3A_254] : memref<3200x128xi32, #tpu.memory_space<hbm>> -> memref<2x128xi32, #tpu.memory_space<hbm>>
        %dma_start3A_256 = arith.constant 0 : i32
        %dma_start3A_257 = arith.constant 0 : i32
        %dma_start3A_258 = tpu.memref_slice %arg5[%run_scoped3A, %dma_start3A_256, %dma_start3A_257] : memref<2x2x128xi32, #tpu.memory_space<vmem>> -> memref<1x2x128xi32, #tpu.memory_space<vmem>>
        %dma_start3A_259 = tpu.memref_squeeze %dma_start3A_258 : memref<1x2x128xi32, #tpu.memory_space<vmem>> -> memref<2x128xi32, #tpu.memory_space<vmem>>
        %dma_start3A_260 = arith.constant 0 : i32
        %dma_start3A_261 = tpu.memref_slice %arg3[%add3A_44, %dma_start3A_260] : memref<3200x128xi32, #tpu.memory_space<hbm>> -> memref<2x128xi32, #tpu.memory_space<hbm>>
        tpu.enqueue_dma source(%dma_start3A_261 : memref<2x128xi32, #tpu.memory_space<hbm>>) target(%dma_start3A_259 : memref<2x128xi32, #tpu.memory_space<vmem>>) target_semaphore(%run_scoped3A_249 : memref<!tpu.dma_semaphore, #tpu.memory_space<semaphore_mem>>)
        %dma_wait3A_262 = arith.constant 0 : i32
        %dma_wait3A_263 = arith.constant 0 : i32
        %dma_wait3A_264 = tpu.memref_slice %arg5[%run_scoped3A, %dma_wait3A_262, %dma_wait3A_263] : memref<2x2x128xi32, #tpu.memory_space<vmem>> -> memref<1x2x128xi32, #tpu.memory_space<vmem>>
        %dma_wait3A_265 = tpu.memref_squeeze %dma_wait3A_264 : memref<1x2x128xi32, #tpu.memory_space<vmem>> -> memref<2x128xi32, #tpu.memory_space<vmem>>
        %dma_wait3A_266 = arith.constant 0 : i32
        %dma_wait3A_267 = tpu.memref_slice %arg3[%add3A_44, %dma_wait3A_266] : memref<3200x128xi32, #tpu.memory_space<hbm>> -> memref<2x128xi32, #tpu.memory_space<hbm>>
        %dma_wait3A_268 = arith.constant 0 : i32
        %dma_wait3A_269 = arith.constant 0 : i32
        %dma_wait3A_270 = tpu.memref_slice %arg5[%run_scoped3A, %dma_wait3A_268, %dma_wait3A_269] : memref<2x2x128xi32, #tpu.memory_space<vmem>> -> memref<1x2x128xi32, #tpu.memory_space<vmem>>
        %dma_wait3A_271 = tpu.memref_squeeze %dma_wait3A_270 : memref<1x2x128xi32, #tpu.memory_space<vmem>> -> memref<2x128xi32, #tpu.memory_space<vmem>>
        %dma_wait3A_272 = arith.constant 0 : i32
        %dma_wait3A_273 = tpu.memref_slice %arg3[%add3A_44, %dma_wait3A_272] : memref<3200x128xi32, #tpu.memory_space<hbm>> -> memref<2x128xi32, #tpu.memory_space<hbm>>
        tpu.wait_dma2 semaphore(%run_scoped3A_249 : memref<!tpu.dma_semaphore, #tpu.memory_space<semaphore_mem>>) src(%dma_wait3A_273 : memref<2x128xi32, #tpu.memory_space<hbm>>) dst(%dma_wait3A_271 : memref<2x128xi32, #tpu.memory_space<vmem>>)
        tpu.yield
      }) : () -> ()
      %dma_start3A = arith.constant 0 : i32
      %dma_start3A_47 = arith.constant 0 : i32
      %dma_start3A_48 = arith.constant 0 : i32
      %dma_start3A_49 = arith.constant 0 : i32
      %dma_start3A_50 = arith.constant 0 : i32
      %dma_start3A_51 = tpu.memref_slice %arg6[%dma_start3A_48, %dma_start3A_49, %dma_start3A_50] : memref<2x256x128xf32, #tpu.memory_space<vmem>> -> memref<1x256x128xf32, #tpu.memory_space<vmem>>
      %dma_start3A_52 = tpu.memref_squeeze %dma_start3A_51 : memref<1x256x128xf32, #tpu.memory_space<vmem>> -> memref<256x128xf32, #tpu.memory_space<vmem>>
      %dma_start3A_53 = arith.constant 0 : i32
      %dma_start3A_54 = arith.constant 0 : i32
      %dma_start3A_55 = tpu.memref_slice %dma_start3A_52[%dma_start3A_53, %dma_start3A_54] : memref<256x128xf32, #tpu.memory_space<vmem>> -> memref<128x128xf32, #tpu.memory_space<vmem>>
      %dma_start3A_56 = arith.constant 0 : i32
      %dma_start3A_57 = arith.constant 0 : i32
      %dma_start3A_58 = tpu.memref_slice %arg5[%dma_start3A, %dma_start3A_56, %dma_start3A_57] : memref<2x2x128xi32, #tpu.memory_space<vmem>> -> memref<1x2x128xi32, #tpu.memory_space<vmem>>
      %dma_start3A_59 = tpu.memref_squeeze %dma_start3A_58 : memref<1x2x128xi32, #tpu.memory_space<vmem>> -> memref<2x128xi32, #tpu.memory_space<vmem>>
      %dma_start3A_60 = arith.constant 0 : i32
      %dma_start3A_61 = tpu.memref_slice %dma_start3A_59[%dma_start3A_47, %dma_start3A_60] : memref<2x128xi32, #tpu.memory_space<vmem>> -> memref<1x128xi32, #tpu.memory_space<vmem>>
      %dma_start3A_62 = tpu.memref_squeeze %dma_start3A_61 : memref<1x128xi32, #tpu.memory_space<vmem>> -> memref<128xi32, #tpu.memory_space<vmem>>
      %dma_start3A_63 = arith.constant 0 : i32
      %dma_start3A_64 = arith.constant 0 : i32
      %dma_start3A_65 = tpu.memref_slice %arg2[%dma_start3A_63, %dma_start3A_64] : memref<40401x128xf32, #tpu.memory_space<hbm>> -> memref<40401x128xf32, #tpu.memory_space<hbm>>
      tpu.enqueue_indirect_dma source(%dma_start3A_65 : memref<40401x128xf32, #tpu.memory_space<hbm>>) target(%dma_start3A_55 : memref<128x128xf32, #tpu.memory_space<vmem>>) offsets(%dma_start3A_62 : memref<128xi32, #tpu.memory_space<vmem>>) semaphore(%arg7 : memref<!tpu.dma_semaphore, #tpu.memory_space<semaphore_mem>>)
      %dma_start3A_66 = arith.constant 0 : i32
      %dma_start3A_67 = arith.constant 1 : i32
      %dma_start3A_68 = arith.constant 0 : i32
      %dma_start3A_69 = arith.constant 0 : i32
      %dma_start3A_70 = arith.constant 0 : i32
      %dma_start3A_71 = tpu.memref_slice %arg6[%dma_start3A_68, %dma_start3A_69, %dma_start3A_70] : memref<2x256x128xf32, #tpu.memory_space<vmem>> -> memref<1x256x128xf32, #tpu.memory_space<vmem>>
      %dma_start3A_72 = tpu.memref_squeeze %dma_start3A_71 : memref<1x256x128xf32, #tpu.memory_space<vmem>> -> memref<256x128xf32, #tpu.memory_space<vmem>>
      %dma_start3A_73 = arith.constant 128 : i32
      %dma_start3A_74 = arith.constant 0 : i32
      %dma_start3A_75 = tpu.memref_slice %dma_start3A_72[%dma_start3A_73, %dma_start3A_74] : memref<256x128xf32, #tpu.memory_space<vmem>> -> memref<128x128xf32, #tpu.memory_space<vmem>>
      %dma_start3A_76 = arith.constant 0 : i32
      %dma_start3A_77 = arith.constant 0 : i32
      %dma_start3A_78 = tpu.memref_slice %arg5[%dma_start3A_66, %dma_start3A_76, %dma_start3A_77] : memref<2x2x128xi32, #tpu.memory_space<vmem>> -> memref<1x2x128xi32, #tpu.memory_space<vmem>>
      %dma_start3A_79 = tpu.memref_squeeze %dma_start3A_78 : memref<1x2x128xi32, #tpu.memory_space<vmem>> -> memref<2x128xi32, #tpu.memory_space<vmem>>
      %dma_start3A_80 = arith.constant 0 : i32
      %dma_start3A_81 = tpu.memref_slice %dma_start3A_79[%dma_start3A_67, %dma_start3A_80] : memref<2x128xi32, #tpu.memory_space<vmem>> -> memref<1x128xi32, #tpu.memory_space<vmem>>
      %dma_start3A_82 = tpu.memref_squeeze %dma_start3A_81 : memref<1x128xi32, #tpu.memory_space<vmem>> -> memref<128xi32, #tpu.memory_space<vmem>>
      %dma_start3A_83 = arith.constant 0 : i32
      %dma_start3A_84 = arith.constant 0 : i32
      %dma_start3A_85 = tpu.memref_slice %arg2[%dma_start3A_83, %dma_start3A_84] : memref<40401x128xf32, #tpu.memory_space<hbm>> -> memref<40401x128xf32, #tpu.memory_space<hbm>>
      tpu.enqueue_indirect_dma source(%dma_start3A_85 : memref<40401x128xf32, #tpu.memory_space<hbm>>) target(%dma_start3A_75 : memref<128x128xf32, #tpu.memory_space<vmem>>) offsets(%dma_start3A_82 : memref<128xi32, #tpu.memory_space<vmem>>) semaphore(%arg7 : memref<!tpu.dma_semaphore, #tpu.memory_space<semaphore_mem>>)
      %dma_wait3A_86 = arith.constant 0 : i32
      %dma_wait3A_87 = arith.constant 0 : i32
      %dma_wait3A_88 = arith.constant 0 : i32
      %dma_wait3A_89 = arith.constant 0 : i32
      %dma_wait3A_90 = arith.constant 0 : i32
      %dma_wait3A_91 = tpu.memref_slice %arg6[%dma_wait3A_88, %dma_wait3A_89, %dma_wait3A_90] : memref<2x256x128xf32, #tpu.memory_space<vmem>> -> memref<1x256x128xf32, #tpu.memory_space<vmem>>
      %dma_wait3A_92 = tpu.memref_squeeze %dma_wait3A_91 : memref<1x256x128xf32, #tpu.memory_space<vmem>> -> memref<256x128xf32, #tpu.memory_space<vmem>>
      %dma_wait3A_93 = arith.constant 0 : i32
      %dma_wait3A_94 = arith.constant 0 : i32
      %dma_wait3A_95 = tpu.memref_slice %dma_wait3A_92[%dma_wait3A_93, %dma_wait3A_94] : memref<256x128xf32, #tpu.memory_space<vmem>> -> memref<128x128xf32, #tpu.memory_space<vmem>>
      %dma_wait3A_96 = arith.constant 0 : i32
      %dma_wait3A_97 = arith.constant 0 : i32
      %dma_wait3A_98 = tpu.memref_slice %arg5[%dma_wait3A_86, %dma_wait3A_96, %dma_wait3A_97] : memref<2x2x128xi32, #tpu.memory_space<vmem>> -> memref<1x2x128xi32, #tpu.memory_space<vmem>>
      %dma_wait3A_99 = tpu.memref_squeeze %dma_wait3A_98 : memref<1x2x128xi32, #tpu.memory_space<vmem>> -> memref<2x128xi32, #tpu.memory_space<vmem>>
      %dma_wait3A_100 = arith.constant 0 : i32
      %dma_wait3A_101 = tpu.memref_slice %dma_wait3A_99[%dma_wait3A_87, %dma_wait3A_100] : memref<2x128xi32, #tpu.memory_space<vmem>> -> memref<1x128xi32, #tpu.memory_space<vmem>>
      %dma_wait3A_102 = tpu.memref_squeeze %dma_wait3A_101 : memref<1x128xi32, #tpu.memory_space<vmem>> -> memref<128xi32, #tpu.memory_space<vmem>>
      %dma_wait3A_103 = arith.constant 0 : i32
      %dma_wait3A_104 = arith.constant 0 : i32
      %dma_wait3A_105 = tpu.memref_slice %arg2[%dma_wait3A_103, %dma_wait3A_104] : memref<40401x128xf32, #tpu.memory_space<hbm>> -> memref<40401x128xf32, #tpu.memory_space<hbm>>
      tpu.wait_indirect_dma semaphore(%arg7 : memref<!tpu.dma_semaphore, #tpu.memory_space<semaphore_mem>>) src(%dma_wait3A_105 : memref<40401x128xf32, #tpu.memory_space<hbm>>) dst(%dma_wait3A_95 : memref<128x128xf32, #tpu.memory_space<vmem>>)
      %dma_wait3A_106 = arith.constant 0 : i32
      %dma_wait3A_107 = arith.constant 1 : i32
      %dma_wait3A_108 = arith.constant 0 : i32
      %dma_wait3A_109 = arith.constant 0 : i32
      %dma_wait3A_110 = arith.constant 0 : i32
      %dma_wait3A_111 = tpu.memref_slice %arg6[%dma_wait3A_108, %dma_wait3A_109, %dma_wait3A_110] : memref<2x256x128xf32, #tpu.memory_space<vmem>> -> memref<1x256x128xf32, #tpu.memory_space<vmem>>
      %dma_wait3A_112 = tpu.memref_squeeze %dma_wait3A_111 : memref<1x256x128xf32, #tpu.memory_space<vmem>> -> memref<256x128xf32, #tpu.memory_space<vmem>>
      %dma_wait3A_113 = arith.constant 128 : i32
      %dma_wait3A_114 = arith.constant 0 : i32
      %dma_wait3A_115 = tpu.memref_slice %dma_wait3A_112[%dma_wait3A_113, %dma_wait3A_114] : memref<256x128xf32, #tpu.memory_space<vmem>> -> memref<128x128xf32, #tpu.memory_space<vmem>>
      %dma_wait3A_116 = arith.constant 0 : i32
      %dma_wait3A_117 = arith.constant 0 : i32
      %dma_wait3A_118 = tpu.memref_slice %arg5[%dma_wait3A_106, %dma_wait3A_116, %dma_wait3A_117] : memref<2x2x128xi32, #tpu.memory_space<vmem>> -> memref<1x2x128xi32, #tpu.memory_space<vmem>>
      %dma_wait3A_119 = tpu.memref_squeeze %dma_wait3A_118 : memref<1x2x128xi32, #tpu.memory_space<vmem>> -> memref<2x128xi32, #tpu.memory_space<vmem>>
      %dma_wait3A_120 = arith.constant 0 : i32
      %dma_wait3A_121 = tpu.memref_slice %dma_wait3A_119[%dma_wait3A_107, %dma_wait3A_120] : memref<2x128xi32, #tpu.memory_space<vmem>> -> memref<1x128xi32, #tpu.memory_space<vmem>>
      %dma_wait3A_122 = tpu.memref_squeeze %dma_wait3A_121 : memref<1x128xi32, #tpu.memory_space<vmem>> -> memref<128xi32, #tpu.memory_space<vmem>>
      %dma_wait3A_123 = arith.constant 0 : i32
      %dma_wait3A_124 = arith.constant 0 : i32
      %dma_wait3A_125 = tpu.memref_slice %arg2[%dma_wait3A_123, %dma_wait3A_124] : memref<40401x128xf32, #tpu.memory_space<hbm>> -> memref<40401x128xf32, #tpu.memory_space<hbm>>
      tpu.wait_indirect_dma semaphore(%arg7 : memref<!tpu.dma_semaphore, #tpu.memory_space<semaphore_mem>>) src(%dma_wait3A_125 : memref<40401x128xf32, #tpu.memory_space<hbm>>) dst(%dma_wait3A_115 : memref<128x128xf32, #tpu.memory_space<vmem>>)
      %mul3A_126 = arith.constant 128 : i32
      %mul3A_127 = arith.muli %add3A_44, %mul3A_126 : i32
      %dma_start3A_128 = arith.constant 0 : i32
      %dma_start3A_129 = arith.constant 0 : i32
      %dma_start3A_130 = arith.constant 0 : i32
      %dma_start3A_131 = tpu.memref_slice %arg6[%dma_start3A_128, %dma_start3A_129, %dma_start3A_130] : memref<2x256x128xf32, #tpu.memory_space<vmem>> -> memref<1x256x128xf32, #tpu.memory_space<vmem>>
      %dma_start3A_132 = tpu.memref_squeeze %dma_start3A_131 : memref<1x256x128xf32, #tpu.memory_space<vmem>> -> memref<256x128xf32, #tpu.memory_space<vmem>>
      %dma_start3A_133 = arith.constant 0 : i32
      %dma_start3A_134 = tpu.memref_slice %arg4[%mul3A_127, %dma_start3A_133] : memref<409600x128xf32, #tpu.memory_space<hbm>> -> memref<256x128xf32, #tpu.memory_space<hbm>>
      %dma_start3A_135 = arith.constant 0 : i32
      %dma_start3A_136 = tpu.memref_slice %arg4[%mul3A_127, %dma_start3A_135] : memref<409600x128xf32, #tpu.memory_space<hbm>> -> memref<256x128xf32, #tpu.memory_space<hbm>>
      %dma_start3A_137 = arith.constant 0 : i32
      %dma_start3A_138 = arith.constant 0 : i32
      %dma_start3A_139 = tpu.memref_slice %arg6[%dma_start3A_128, %dma_start3A_137, %dma_start3A_138] : memref<2x256x128xf32, #tpu.memory_space<vmem>> -> memref<1x256x128xf32, #tpu.memory_space<vmem>>
      %dma_start3A_140 = tpu.memref_squeeze %dma_start3A_139 : memref<1x256x128xf32, #tpu.memory_space<vmem>> -> memref<256x128xf32, #tpu.memory_space<vmem>>
      tpu.enqueue_dma source(%dma_start3A_140 : memref<256x128xf32, #tpu.memory_space<vmem>>) target(%dma_start3A_136 : memref<256x128xf32, #tpu.memory_space<hbm>>) target_semaphore(%arg8 : memref<!tpu.dma_semaphore, #tpu.memory_space<semaphore_mem>>)
      %mul3A_141 = arith.constant 2 : i32
      %mul3A_142 = arith.muli %scan3A_37, %mul3A_141 : i32
      %add3A_143 = arith.constant 1 : i32
      %add3A_144 = arith.addi %mul3A_142, %add3A_143 : i32
      %mul3A_145 = arith.constant 2 : i32
      %mul3A_146 = arith.muli %add3A_144, %mul3A_145 : i32
      %add3A_147 = arith.addi %mul3A_2, %mul3A_146 : i32
      %gt3A_148 = arith.constant 0 : i32
      %gt3A_149 = arith.cmpi sgt, %scan3A_37, %gt3A_148 : i32
      %convert_element_type3A_150 = arith.extui %gt3A_149 : i1 to i32
      %cond3A_151 = arith.constant 0 : i32
      %cond3A_152 = arith.cmpi ne, %convert_element_type3A_150, %cond3A_151 : i32
      scf.if %cond3A_152 {
        %dma_wait3A_249 = arith.constant 1 : i32
        %dma_wait3A_250 = arith.constant 0 : i32
        %dma_wait3A_251 = arith.constant 0 : i32
        %dma_wait3A_252 = tpu.memref_slice %arg6[%dma_wait3A_249, %dma_wait3A_250, %dma_wait3A_251] : memref<2x256x128xf32, #tpu.memory_space<vmem>> -> memref<1x256x128xf32, #tpu.memory_space<vmem>>
        %dma_wait3A_253 = tpu.memref_squeeze %dma_wait3A_252 : memref<1x256x128xf32, #tpu.memory_space<vmem>> -> memref<256x128xf32, #tpu.memory_space<vmem>>
        %dma_wait3A_254 = arith.constant 0 : i32
        %dma_wait3A_255 = arith.constant 0 : i32
        %dma_wait3A_256 = tpu.memref_slice %arg4[%dma_wait3A_254, %dma_wait3A_255] : memref<409600x128xf32, #tpu.memory_space<hbm>> -> memref<256x128xf32, #tpu.memory_space<hbm>>
        %dma_wait3A_257 = arith.constant 0 : i32
        %dma_wait3A_258 = arith.constant 0 : i32
        %dma_wait3A_259 = tpu.memref_slice %arg4[%dma_wait3A_257, %dma_wait3A_258] : memref<409600x128xf32, #tpu.memory_space<hbm>> -> memref<256x128xf32, #tpu.memory_space<hbm>>
        %dma_wait3A_260 = arith.constant 0 : i32
        %dma_wait3A_261 = arith.constant 0 : i32
        %dma_wait3A_262 = tpu.memref_slice %arg6[%dma_wait3A_249, %dma_wait3A_260, %dma_wait3A_261] : memref<2x256x128xf32, #tpu.memory_space<vmem>> -> memref<1x256x128xf32, #tpu.memory_space<vmem>>
        %dma_wait3A_263 = tpu.memref_squeeze %dma_wait3A_262 : memref<1x256x128xf32, #tpu.memory_space<vmem>> -> memref<256x128xf32, #tpu.memory_space<vmem>>
        tpu.wait_dma2 semaphore(%arg9 : memref<!tpu.dma_semaphore, #tpu.memory_space<semaphore_mem>>) src(%dma_wait3A_263 : memref<256x128xf32, #tpu.memory_space<vmem>>) dst(%dma_wait3A_259 : memref<256x128xf32, #tpu.memory_space<hbm>>)
      } else {
      }
      %run_scoped3A_153 = arith.constant 1 : i32
      "tpu.region"() ({
        %run_scoped3A_249 = tpu.sem_alloc : memref<!tpu.dma_semaphore, #tpu.memory_space<semaphore_mem>>
        %dma_start3A_250 = arith.constant 0 : i32
        %dma_start3A_251 = arith.constant 0 : i32
        %dma_start3A_252 = tpu.memref_slice %arg5[%run_scoped3A_153, %dma_start3A_250, %dma_start3A_251] : memref<2x2x128xi32, #tpu.memory_space<vmem>> -> memref<1x2x128xi32, #tpu.memory_space<vmem>>
        %dma_start3A_253 = tpu.memref_squeeze %dma_start3A_252 : memref<1x2x128xi32, #tpu.memory_space<vmem>> -> memref<2x128xi32, #tpu.memory_space<vmem>>
        %dma_start3A_254 = arith.constant 0 : i32
        %dma_start3A_255 = tpu.memref_slice %arg3[%add3A_147, %dma_start3A_254] : memref<3200x128xi32, #tpu.memory_space<hbm>> -> memref<2x128xi32, #tpu.memory_space<hbm>>
        %dma_start3A_256 = arith.constant 0 : i32
        %dma_start3A_257 = arith.constant 0 : i32
        %dma_start3A_258 = tpu.memref_slice %arg5[%run_scoped3A_153, %dma_start3A_256, %dma_start3A_257] : memref<2x2x128xi32, #tpu.memory_space<vmem>> -> memref<1x2x128xi32, #tpu.memory_space<vmem>>
        %dma_start3A_259 = tpu.memref_squeeze %dma_start3A_258 : memref<1x2x128xi32, #tpu.memory_space<vmem>> -> memref<2x128xi32, #tpu.memory_space<vmem>>
        %dma_start3A_260 = arith.constant 0 : i32
        %dma_start3A_261 = tpu.memref_slice %arg3[%add3A_147, %dma_start3A_260] : memref<3200x128xi32, #tpu.memory_space<hbm>> -> memref<2x128xi32, #tpu.memory_space<hbm>>
        tpu.enqueue_dma source(%dma_start3A_261 : memref<2x128xi32, #tpu.memory_space<hbm>>) target(%dma_start3A_259 : memref<2x128xi32, #tpu.memory_space<vmem>>) target_semaphore(%run_scoped3A_249 : memref<!tpu.dma_semaphore, #tpu.memory_space<semaphore_mem>>)
        %dma_wait3A_262 = arith.constant 0 : i32
        %dma_wait3A_263 = arith.constant 0 : i32
        %dma_wait3A_264 = tpu.memref_slice %arg5[%run_scoped3A_153, %dma_wait3A_262, %dma_wait3A_263] : memref<2x2x128xi32, #tpu.memory_space<vmem>> -> memref<1x2x128xi32, #tpu.memory_space<vmem>>
        %dma_wait3A_265 = tpu.memref_squeeze %dma_wait3A_264 : memref<1x2x128xi32, #tpu.memory_space<vmem>> -> memref<2x128xi32, #tpu.memory_space<vmem>>
        %dma_wait3A_266 = arith.constant 0 : i32
        %dma_wait3A_267 = tpu.memref_slice %arg3[%add3A_147, %dma_wait3A_266] : memref<3200x128xi32, #tpu.memory_space<hbm>> -> memref<2x128xi32, #tpu.memory_space<hbm>>
        %dma_wait3A_268 = arith.constant 0 : i32
        %dma_wait3A_269 = arith.constant 0 : i32
        %dma_wait3A_270 = tpu.memref_slice %arg5[%run_scoped3A_153, %dma_wait3A_268, %dma_wait3A_269] : memref<2x2x128xi32, #tpu.memory_space<vmem>> -> memref<1x2x128xi32, #tpu.memory_space<vmem>>
        %dma_wait3A_271 = tpu.memref_squeeze %dma_wait3A_270 : memref<1x2x128xi32, #tpu.memory_space<vmem>> -> memref<2x128xi32, #tpu.memory_space<vmem>>
        %dma_wait3A_272 = arith.constant 0 : i32
        %dma_wait3A_273 = tpu.memref_slice %arg3[%add3A_147, %dma_wait3A_272] : memref<3200x128xi32, #tpu.memory_space<hbm>> -> memref<2x128xi32, #tpu.memory_space<hbm>>
        tpu.wait_dma2 semaphore(%run_scoped3A_249 : memref<!tpu.dma_semaphore, #tpu.memory_space<semaphore_mem>>) src(%dma_wait3A_273 : memref<2x128xi32, #tpu.memory_space<hbm>>) dst(%dma_wait3A_271 : memref<2x128xi32, #tpu.memory_space<vmem>>)
        tpu.yield
      }) : () -> ()
      %dma_start3A_154 = arith.constant 1 : i32
      %dma_start3A_155 = arith.constant 0 : i32
      %dma_start3A_156 = arith.constant 1 : i32
      %dma_start3A_157 = arith.constant 0 : i32
      %dma_start3A_158 = arith.constant 0 : i32
      %dma_start3A_159 = tpu.memref_slice %arg6[%dma_start3A_156, %dma_start3A_157, %dma_start3A_158] : memref<2x256x128xf32, #tpu.memory_space<vmem>> -> memref<1x256x128xf32, #tpu.memory_space<vmem>>
      %dma_start3A_160 = tpu.memref_squeeze %dma_start3A_159 : memref<1x256x128xf32, #tpu.memory_space<vmem>> -> memref<256x128xf32, #tpu.memory_space<vmem>>
      %dma_start3A_161 = arith.constant 0 : i32
      %dma_start3A_162 = arith.constant 0 : i32
      %dma_start3A_163 = tpu.memref_slice %dma_start3A_160[%dma_start3A_161, %dma_start3A_162] : memref<256x128xf32, #tpu.memory_space<vmem>> -> memref<128x128xf32, #tpu.memory_space<vmem>>
      %dma_start3A_164 = arith.constant 0 : i32
      %dma_start3A_165 = arith.constant 0 : i32
      %dma_start3A_166 = tpu.memref_slice %arg5[%dma_start3A_154, %dma_start3A_164, %dma_start3A_165] : memref<2x2x128xi32, #tpu.memory_space<vmem>> -> memref<1x2x128xi32, #tpu.memory_space<vmem>>
      %dma_start3A_167 = tpu.memref_squeeze %dma_start3A_166 : memref<1x2x128xi32, #tpu.memory_space<vmem>> -> memref<2x128xi32, #tpu.memory_space<vmem>>
      %dma_start3A_168 = arith.constant 0 : i32
      %dma_start3A_169 = tpu.memref_slice %dma_start3A_167[%dma_start3A_155, %dma_start3A_168] : memref<2x128xi32, #tpu.memory_space<vmem>> -> memref<1x128xi32, #tpu.memory_space<vmem>>
      %dma_start3A_170 = tpu.memref_squeeze %dma_start3A_169 : memref<1x128xi32, #tpu.memory_space<vmem>> -> memref<128xi32, #tpu.memory_space<vmem>>
      %dma_start3A_171 = arith.constant 0 : i32
      %dma_start3A_172 = arith.constant 0 : i32
      %dma_start3A_173 = tpu.memref_slice %arg2[%dma_start3A_171, %dma_start3A_172] : memref<40401x128xf32, #tpu.memory_space<hbm>> -> memref<40401x128xf32, #tpu.memory_space<hbm>>
      tpu.enqueue_indirect_dma source(%dma_start3A_173 : memref<40401x128xf32, #tpu.memory_space<hbm>>) target(%dma_start3A_163 : memref<128x128xf32, #tpu.memory_space<vmem>>) offsets(%dma_start3A_170 : memref<128xi32, #tpu.memory_space<vmem>>) semaphore(%arg7 : memref<!tpu.dma_semaphore, #tpu.memory_space<semaphore_mem>>)
      %dma_start3A_174 = arith.constant 1 : i32
      %dma_start3A_175 = arith.constant 1 : i32
      %dma_start3A_176 = arith.constant 1 : i32
      %dma_start3A_177 = arith.constant 0 : i32
      %dma_start3A_178 = arith.constant 0 : i32
      %dma_start3A_179 = tpu.memref_slice %arg6[%dma_start3A_176, %dma_start3A_177, %dma_start3A_178] : memref<2x256x128xf32, #tpu.memory_space<vmem>> -> memref<1x256x128xf32, #tpu.memory_space<vmem>>
      %dma_start3A_180 = tpu.memref_squeeze %dma_start3A_179 : memref<1x256x128xf32, #tpu.memory_space<vmem>> -> memref<256x128xf32, #tpu.memory_space<vmem>>
      %dma_start3A_181 = arith.constant 128 : i32
      %dma_start3A_182 = arith.constant 0 : i32
      %dma_start3A_183 = tpu.memref_slice %dma_start3A_180[%dma_start3A_181, %dma_start3A_182] : memref<256x128xf32, #tpu.memory_space<vmem>> -> memref<128x128xf32, #tpu.memory_space<vmem>>
      %dma_start3A_184 = arith.constant 0 : i32
      %dma_start3A_185 = arith.constant 0 : i32
      %dma_start3A_186 = tpu.memref_slice %arg5[%dma_start3A_174, %dma_start3A_184, %dma_start3A_185] : memref<2x2x128xi32, #tpu.memory_space<vmem>> -> memref<1x2x128xi32, #tpu.memory_space<vmem>>
      %dma_start3A_187 = tpu.memref_squeeze %dma_start3A_186 : memref<1x2x128xi32, #tpu.memory_space<vmem>> -> memref<2x128xi32, #tpu.memory_space<vmem>>
      %dma_start3A_188 = arith.constant 0 : i32
      %dma_start3A_189 = tpu.memref_slice %dma_start3A_187[%dma_start3A_175, %dma_start3A_188] : memref<2x128xi32, #tpu.memory_space<vmem>> -> memref<1x128xi32, #tpu.memory_space<vmem>>
      %dma_start3A_190 = tpu.memref_squeeze %dma_start3A_189 : memref<1x128xi32, #tpu.memory_space<vmem>> -> memref<128xi32, #tpu.memory_space<vmem>>
      %dma_start3A_191 = arith.constant 0 : i32
      %dma_start3A_192 = arith.constant 0 : i32
      %dma_start3A_193 = tpu.memref_slice %arg2[%dma_start3A_191, %dma_start3A_192] : memref<40401x128xf32, #tpu.memory_space<hbm>> -> memref<40401x128xf32, #tpu.memory_space<hbm>>
      tpu.enqueue_indirect_dma source(%dma_start3A_193 : memref<40401x128xf32, #tpu.memory_space<hbm>>) target(%dma_start3A_183 : memref<128x128xf32, #tpu.memory_space<vmem>>) offsets(%dma_start3A_190 : memref<128xi32, #tpu.memory_space<vmem>>) semaphore(%arg7 : memref<!tpu.dma_semaphore, #tpu.memory_space<semaphore_mem>>)
      %dma_wait3A_194 = arith.constant 1 : i32
      %dma_wait3A_195 = arith.constant 0 : i32
      %dma_wait3A_196 = arith.constant 1 : i32
      %dma_wait3A_197 = arith.constant 0 : i32
      %dma_wait3A_198 = arith.constant 0 : i32
      %dma_wait3A_199 = tpu.memref_slice %arg6[%dma_wait3A_196, %dma_wait3A_197, %dma_wait3A_198] : memref<2x256x128xf32, #tpu.memory_space<vmem>> -> memref<1x256x128xf32, #tpu.memory_space<vmem>>
      %dma_wait3A_200 = tpu.memref_squeeze %dma_wait3A_199 : memref<1x256x128xf32, #tpu.memory_space<vmem>> -> memref<256x128xf32, #tpu.memory_space<vmem>>
      %dma_wait3A_201 = arith.constant 0 : i32
      %dma_wait3A_202 = arith.constant 0 : i32
      %dma_wait3A_203 = tpu.memref_slice %dma_wait3A_200[%dma_wait3A_201, %dma_wait3A_202] : memref<256x128xf32, #tpu.memory_space<vmem>> -> memref<128x128xf32, #tpu.memory_space<vmem>>
      %dma_wait3A_204 = arith.constant 0 : i32
      %dma_wait3A_205 = arith.constant 0 : i32
      %dma_wait3A_206 = tpu.memref_slice %arg5[%dma_wait3A_194, %dma_wait3A_204, %dma_wait3A_205] : memref<2x2x128xi32, #tpu.memory_space<vmem>> -> memref<1x2x128xi32, #tpu.memory_space<vmem>>
      %dma_wait3A_207 = tpu.memref_squeeze %dma_wait3A_206 : memref<1x2x128xi32, #tpu.memory_space<vmem>> -> memref<2x128xi32, #tpu.memory_space<vmem>>
      %dma_wait3A_208 = arith.constant 0 : i32
      %dma_wait3A_209 = tpu.memref_slice %dma_wait3A_207[%dma_wait3A_195, %dma_wait3A_208] : memref<2x128xi32, #tpu.memory_space<vmem>> -> memref<1x128xi32, #tpu.memory_space<vmem>>
      %dma_wait3A_210 = tpu.memref_squeeze %dma_wait3A_209 : memref<1x128xi32, #tpu.memory_space<vmem>> -> memref<128xi32, #tpu.memory_space<vmem>>
      %dma_wait3A_211 = arith.constant 0 : i32
      %dma_wait3A_212 = arith.constant 0 : i32
      %dma_wait3A_213 = tpu.memref_slice %arg2[%dma_wait3A_211, %dma_wait3A_212] : memref<40401x128xf32, #tpu.memory_space<hbm>> -> memref<40401x128xf32, #tpu.memory_space<hbm>>
      tpu.wait_indirect_dma semaphore(%arg7 : memref<!tpu.dma_semaphore, #tpu.memory_space<semaphore_mem>>) src(%dma_wait3A_213 : memref<40401x128xf32, #tpu.memory_space<hbm>>) dst(%dma_wait3A_203 : memref<128x128xf32, #tpu.memory_space<vmem>>)
      %dma_wait3A_214 = arith.constant 1 : i32
      %dma_wait3A_215 = arith.constant 1 : i32
      %dma_wait3A_216 = arith.constant 1 : i32
      %dma_wait3A_217 = arith.constant 0 : i32
      %dma_wait3A_218 = arith.constant 0 : i32
      %dma_wait3A_219 = tpu.memref_slice %arg6[%dma_wait3A_216, %dma_wait3A_217, %dma_wait3A_218] : memref<2x256x128xf32, #tpu.memory_space<vmem>> -> memref<1x256x128xf32, #tpu.memory_space<vmem>>
      %dma_wait3A_220 = tpu.memref_squeeze %dma_wait3A_219 : memref<1x256x128xf32, #tpu.memory_space<vmem>> -> memref<256x128xf32, #tpu.memory_space<vmem>>
      %dma_wait3A_221 = arith.constant 128 : i32
      %dma_wait3A_222 = arith.constant 0 : i32
      %dma_wait3A_223 = tpu.memref_slice %dma_wait3A_220[%dma_wait3A_221, %dma_wait3A_222] : memref<256x128xf32, #tpu.memory_space<vmem>> -> memref<128x128xf32, #tpu.memory_space<vmem>>
      %dma_wait3A_224 = arith.constant 0 : i32
      %dma_wait3A_225 = arith.constant 0 : i32
      %dma_wait3A_226 = tpu.memref_slice %arg5[%dma_wait3A_214, %dma_wait3A_224, %dma_wait3A_225] : memref<2x2x128xi32, #tpu.memory_space<vmem>> -> memref<1x2x128xi32, #tpu.memory_space<vmem>>
      %dma_wait3A_227 = tpu.memref_squeeze %dma_wait3A_226 : memref<1x2x128xi32, #tpu.memory_space<vmem>> -> memref<2x128xi32, #tpu.memory_space<vmem>>
      %dma_wait3A_228 = arith.constant 0 : i32
      %dma_wait3A_229 = tpu.memref_slice %dma_wait3A_227[%dma_wait3A_215, %dma_wait3A_228] : memref<2x128xi32, #tpu.memory_space<vmem>> -> memref<1x128xi32, #tpu.memory_space<vmem>>
      %dma_wait3A_230 = tpu.memref_squeeze %dma_wait3A_229 : memref<1x128xi32, #tpu.memory_space<vmem>> -> memref<128xi32, #tpu.memory_space<vmem>>
      %dma_wait3A_231 = arith.constant 0 : i32
      %dma_wait3A_232 = arith.constant 0 : i32
      %dma_wait3A_233 = tpu.memref_slice %arg2[%dma_wait3A_231, %dma_wait3A_232] : memref<40401x128xf32, #tpu.memory_space<hbm>> -> memref<40401x128xf32, #tpu.memory_space<hbm>>
      tpu.wait_indirect_dma semaphore(%arg7 : memref<!tpu.dma_semaphore, #tpu.memory_space<semaphore_mem>>) src(%dma_wait3A_233 : memref<40401x128xf32, #tpu.memory_space<hbm>>) dst(%dma_wait3A_223 : memref<128x128xf32, #tpu.memory_space<vmem>>)
      %mul3A_234 = arith.constant 128 : i32
      %mul3A_235 = arith.muli %add3A_147, %mul3A_234 : i32
      %dma_start3A_236 = arith.constant 1 : i32
      %dma_start3A_237 = arith.constant 0 : i32
      %dma_start3A_238 = arith.constant 0 : i32
      %dma_start3A_239 = tpu.memref_slice %arg6[%dma_start3A_236, %dma_start3A_237, %dma_start3A_238] : memref<2x256x128xf32, #tpu.memory_space<vmem>> -> memref<1x256x128xf32, #tpu.memory_space<vmem>>
      %dma_start3A_240 = tpu.memref_squeeze %dma_start3A_239 : memref<1x256x128xf32, #tpu.memory_space<vmem>> -> memref<256x128xf32, #tpu.memory_space<vmem>>
      %dma_start3A_241 = arith.constant 0 : i32
      %dma_start3A_242 = tpu.memref_slice %arg4[%mul3A_235, %dma_start3A_241] : memref<409600x128xf32, #tpu.memory_space<hbm>> -> memref<256x128xf32, #tpu.memory_space<hbm>>
      %dma_start3A_243 = arith.constant 0 : i32
      %dma_start3A_244 = tpu.memref_slice %arg4[%mul3A_235, %dma_start3A_243] : memref<409600x128xf32, #tpu.memory_space<hbm>> -> memref<256x128xf32, #tpu.memory_space<hbm>>
      %dma_start3A_245 = arith.constant 0 : i32
      %dma_start3A_246 = arith.constant 0 : i32
      %dma_start3A_247 = tpu.memref_slice %arg6[%dma_start3A_236, %dma_start3A_245, %dma_start3A_246] : memref<2x256x128xf32, #tpu.memory_space<vmem>> -> memref<1x256x128xf32, #tpu.memory_space<vmem>>
      %dma_start3A_248 = tpu.memref_squeeze %dma_start3A_247 : memref<1x256x128xf32, #tpu.memory_space<vmem>> -> memref<256x128xf32, #tpu.memory_space<vmem>>
      tpu.enqueue_dma source(%dma_start3A_248 : memref<256x128xf32, #tpu.memory_space<vmem>>) target(%dma_start3A_244 : memref<256x128xf32, #tpu.memory_space<hbm>>) target_semaphore(%arg9 : memref<!tpu.dma_semaphore, #tpu.memory_space<semaphore_mem>>)
    }
    %scan3A_7 = arith.constant 25 : i32
    %dma_wait3A = arith.constant 0 : i32
    %dma_wait3A_8 = arith.constant 0 : i32
    %dma_wait3A_9 = arith.constant 0 : i32
    %dma_wait3A_10 = tpu.memref_slice %arg6[%dma_wait3A, %dma_wait3A_8, %dma_wait3A_9] : memref<2x256x128xf32, #tpu.memory_space<vmem>> -> memref<1x256x128xf32, #tpu.memory_space<vmem>>
    %dma_wait3A_11 = tpu.memref_squeeze %dma_wait3A_10 : memref<1x256x128xf32, #tpu.memory_space<vmem>> -> memref<256x128xf32, #tpu.memory_space<vmem>>
    %dma_wait3A_12 = arith.constant 0 : i32
    %dma_wait3A_13 = arith.constant 0 : i32
    %dma_wait3A_14 = tpu.memref_slice %arg4[%dma_wait3A_12, %dma_wait3A_13] : memref<409600x128xf32, #tpu.memory_space<hbm>> -> memref<256x128xf32, #tpu.memory_space<hbm>>
    %dma_wait3A_15 = arith.constant 0 : i32
    %dma_wait3A_16 = arith.constant 0 : i32
    %dma_wait3A_17 = tpu.memref_slice %arg4[%dma_wait3A_15, %dma_wait3A_16] : memref<409600x128xf32, #tpu.memory_space<hbm>> -> memref<256x128xf32, #tpu.memory_space<hbm>>
    %dma_wait3A_18 = arith.constant 0 : i32
    %dma_wait3A_19 = arith.constant 0 : i32
    %dma_wait3A_20 = tpu.memref_slice %arg6[%dma_wait3A, %dma_wait3A_18, %dma_wait3A_19] : memref<2x256x128xf32, #tpu.memory_space<vmem>> -> memref<1x256x128xf32, #tpu.memory_space<vmem>>
    %dma_wait3A_21 = tpu.memref_squeeze %dma_wait3A_20 : memref<1x256x128xf32, #tpu.memory_space<vmem>> -> memref<256x128xf32, #tpu.memory_space<vmem>>
    tpu.wait_dma2 semaphore(%arg8 : memref<!tpu.dma_semaphore, #tpu.memory_space<semaphore_mem>>) src(%dma_wait3A_21 : memref<256x128xf32, #tpu.memory_space<vmem>>) dst(%dma_wait3A_17 : memref<256x128xf32, #tpu.memory_space<hbm>>)
    %dma_wait3A_22 = arith.constant 1 : i32
    %dma_wait3A_23 = arith.constant 0 : i32
    %dma_wait3A_24 = arith.constant 0 : i32
    %dma_wait3A_25 = tpu.memref_slice %arg6[%dma_wait3A_22, %dma_wait3A_23, %dma_wait3A_24] : memref<2x256x128xf32, #tpu.memory_space<vmem>> -> memref<1x256x128xf32, #tpu.memory_space<vmem>>
    %dma_wait3A_26 = tpu.memref_squeeze %dma_wait3A_25 : memref<1x256x128xf32, #tpu.memory_space<vmem>> -> memref<256x128xf32, #tpu.memory_space<vmem>>
    %dma_wait3A_27 = arith.constant 0 : i32
    %dma_wait3A_28 = arith.constant 0 : i32
    %dma_wait3A_29 = tpu.memref_slice %arg4[%dma_wait3A_27, %dma_wait3A_28] : memref<409600x128xf32, #tpu.memory_space<hbm>> -> memref<256x128xf32, #tpu.memory_space<hbm>>
    %dma_wait3A_30 = arith.constant 0 : i32
    %dma_wait3A_31 = arith.constant 0 : i32
    %dma_wait3A_32 = tpu.memref_slice %arg4[%dma_wait3A_30, %dma_wait3A_31] : memref<409600x128xf32, #tpu.memory_space<hbm>> -> memref<256x128xf32, #tpu.memory_space<hbm>>
    %dma_wait3A_33 = arith.constant 0 : i32
    %dma_wait3A_34 = arith.constant 0 : i32
    %dma_wait3A_35 = tpu.memref_slice %arg6[%dma_wait3A_22, %dma_wait3A_33, %dma_wait3A_34] : memref<2x256x128xf32, #tpu.memory_space<vmem>> -> memref<1x256x128xf32, #tpu.memory_space<vmem>>
    %dma_wait3A_36 = tpu.memref_squeeze %dma_wait3A_35 : memref<1x256x128xf32, #tpu.memory_space<vmem>> -> memref<256x128xf32, #tpu.memory_space<vmem>>
    tpu.wait_dma2 semaphore(%arg9 : memref<!tpu.dma_semaphore, #tpu.memory_space<semaphore_mem>>) src(%dma_wait3A_36 : memref<256x128xf32, #tpu.memory_space<vmem>>) dst(%dma_wait3A_32 : memref<256x128xf32, #tpu.memory_space<hbm>>)
    return
  }
}

</mosaic_0001>

<sc_bundles>
// kernel: kernel.3.cloned.1.call-start
scs
__scs_entry_jumppad:
0x0: {  	(pc) =	sbr.rel $0x88, $3  }
0x1: {  	(tag) =	ssettag $0x0;
	lr =	simm.s32 $0x1  }
0x2: {  	[smem:$0x3F9F] =	sst lr;
	_ =	strace $0xD0000000  }
0x3: {  	_ = 	snop  }
0x4: {  	_ = 	snop  }
0x5: {  	_ = 	snop  }
0x6: {  	_ = 	snop  }
0x7: {  	_ = 	snop  }
__scs_overlays_trampoline_lowered:
0x8: {  	[smem:$0x3FAE] =	sst s0  }
0x9: {  	[smem:$0x3FAF] =	sst s1  }
0xa: {  	[smem:$0x3FB0] =	sst s2  }
0xb: {  	[smem:$0x3FB1] =	sst s3  }
0xc: {  	[smem:$0x3FB2] =	sst s4  }
0xd: {  	[smem:$0x3FB3] =	sst s5  }
0xe: {  	[smem:$0x3FB4] =	sst s6  }
0xf: {  	[smem:$0x3FB5] =	sst s7  }
0x10: {  	[smem:$0x3FB6] =	sst s8  }
0x11: {  	[smem:$0x3FB7] =	sst s9;
	s0 =	simm.s32 @!p0 $0x0  }
0x12: {  	s1 =	sld [smem:$0x3F9D];
	s0 =	simm.s32 @p0 $0x1  }
0x13: {  	[smem:$0x3FB8] =	sst s0;
	s0 =	simm.s32 @!p1 $0x0  }
0x14: {  	s2 =	sld [smem:$0x3F9C];
	s0 =	simm.s32 @p1 $0x1  }
0x15: {  	[smem:$0x3FB9] =	sst s0;
	s0 =	simm.s32 @!p2 $0x0  }
0x16: {  	s3 =	sld [smem:$0x3FDB];
	s0 =	simm.s32 @p2 $0x1  }
0x17: {  	s4 =	simm.s32 $0x1BF5;
	[smem:$0x3FBB] =	sst s0  }
0x18: {  	s0 =	sld [smem:$0x3F9E];
	_ =	swait.ge [sflag:s4], $0x0  }
0x19: {  	s7 =	sld [smem:$0x3F9F]  }
0x1a: {  	s8 =	sadd.s32 $0xFFFFE003, lr  }
0x1b: {  	s9 =	sadd.s32 $0xFFFFFEF7, lr;
	s5 =	simm.s32 $0xFFFFFFFF;
	p2 =	slt.u32 s8, $0xFFFFF086  }
0x1c: {  	p1 =	slt.u32 s9, $0xF7A;
	s5 =	simm.s32 @!p2 $0x0  }
0x1d: {  	s5 =	simm.s32 @p1 $0x1;
	p0 =	seq.s32 s7, s2  }
0x1e: {  	s7 =	smul.u32 @!p0 $0xF7A, s2;
	p2 =	seq.s32 @!p0 s5, $0x0  }
0x1f: {  	s9 =	smul.u32 $0xF7A, s1;
	s8 =	simm.s32 @!p0 $0x1BF5;
	p2 =	por !p2, p0  }
0x20: {  	[sflag:s8] =	ssyncset.s32 @!p0 $0xFFFFF086;
	s6 =	sadd.s32 @!p0 s3, s7;
	s7 =	simm.s32 @!p0 $0x108  }
0x21: {  	s3 =	sadd.s32 s3, s9;
	s6 =	sadd.s32 @!p0 $0x88, s6;
	s7 =	simm.s32 @p2 $0x1082  }
0x22: {  	[simem:s7], [sflag:s8] =	dma.local @!p0 [hbm:s6], $0xF7A  }
0x23: {  	s9 =	sor.u32 $0xD0000000, s2;
	s6 =	simm.s32 $0x108;
	_ =	swait.ge @!p0 [sflag:s8], $0x0  }
0x24: {  	s3 =	sadd.s32 $0x88, s3;
	s6 =	simm.s32 @!p1 $0x1082;
	[sflag:s4] =	ssyncset.s32 $0xFFFFF086  }
0x25: {  	[simem:s6], [sflag:s4] =	dma.local [hbm:s3], $0xF7A  }
0x26: {  	[smem:$0x3F9F] =	sst s1;
	(tag) =	ssettag s2;
	_ =	strace s9  }
0x27: {  	s1 =	sld [smem:$0x3FAF]  }
0x28: {  	s2 =	sld [smem:$0x3FB0]  }
0x29: {  	s4 =	sld [smem:$0x3FB2]  }
0x2a: {  	p0 =	seq.s32 s5, $0x0;
	s5 =	sld [smem:$0x3FB3]  }
0x2b: {  	s6 =	sld [smem:$0x3FB4]  }
0x2c: {  	s7 =	sld [smem:$0x3FB5]  }
0x2d: {  	s3 =	simm.s32 $0x108;
	s8 =	sld [smem:$0x3FB6]  }
0x2e: {  	s3 =	simm.s32 @!p0 $0x1082;
	s9 =	sld [smem:$0x3FB7]  }
0x2f: {  	lr =	sadd.s32 s0, s3;
	s0 =	sld [smem:$0x3FAE]  }
0x30: {  	s3 =	sld [smem:$0x3FB1]  }
0x31: {  	[smem:$0x3FBA] =	sst s10  }
0x32: {  	s10 =	sld [smem:$0x3FB8];
	_ =	sdelay $0x3  }
0x33: {  	p0 =	seq.s32 s10, $0x1;
	s10 =	sld [smem:$0x3FBA];
	_ =	sdelay $0x3  }
0x34: {  	[smem:$0x3FBA] =	sst s10  }
0x35: {  	s10 =	sld [smem:$0x3FB9];
	_ =	sdelay $0x3  }
0x36: {  	p1 =	seq.s32 s10, $0x1;
	s10 =	sld [smem:$0x3FBA];
	_ =	sdelay $0x3  }
0x37: {  	[smem:$0x3FBA] =	sst s10  }
0x38: {  	s10 =	sld [smem:$0x3FBB]  }
0x39: {  	_ = 	snop;
	(pc) =	sbr.ind lr, $3  }
0x3a: {  	_ = 	snop  }
0x3b: {  	_ = 	snop  }
0x3c: {  	p2 =	seq.s32 s10, $0x1;
	s10 =	sld [smem:$0x3FBA]  }
0x3d: {  	_ =	shalt  }
0x3e: {  	_ =	shalt  }
0x3f: {  	_ =	shalt  }
0x40: {  	_ =	shalt  }
0x41: {  	_ =	shalt  }
0x42: {  	_ =	shalt  }
0x43: {  	_ =	shalt  }
0x44: {  	_ =	shalt  }
0x45: {  	_ =	shalt  }
0x46: {  	_ =	shalt  }
0x47: {  	_ =	shalt  }
0x48: {  	_ =	shalt  }
0x49: {  	_ =	shalt  }
0x4a: {  	_ =	shalt  }
0x4b: {  	_ =	shalt  }
0x4c: {  	_ =	shalt  }
0x4d: {  	_ =	shalt  }
0x4e: {  	_ =	shalt  }
0x4f: {  	_ =	shalt  }
0x50: {  	_ =	shalt  }
0x51: {  	_ =	shalt  }
0x52: {  	_ =	shalt  }
0x53: {  	_ =	shalt  }
0x54: {  	_ =	shalt  }
0x55: {  	_ =	shalt  }
0x56: {  	_ =	shalt  }
0x57: {  	_ =	shalt  }
0x58: {  	_ =	shalt  }
0x59: {  	_ =	shalt  }
0x5a: {  	_ =	shalt  }
0x5b: {  	_ =	shalt  }
0x5c: {  	_ =	shalt  }
0x5d: {  	_ =	shalt  }
0x5e: {  	_ =	shalt  }
0x5f: {  	_ =	shalt  }
0x60: {  	_ =	shalt  }
0x61: {  	_ =	shalt  }
0x62: {  	_ =	shalt  }
0x63: {  	_ =	shalt  }
0x64: {  	_ =	shalt  }
0x65: {  	_ =	shalt  }
0x66: {  	_ =	shalt  }
0x67: {  	_ =	shalt  }
0x68: {  	_ =	shalt  }
0x69: {  	_ =	shalt  }
0x6a: {  	_ =	shalt  }
0x6b: {  	_ =	shalt  }
0x6c: {  	_ =	shalt  }
0x6d: {  	_ =	shalt  }
0x6e: {  	_ =	shalt  }
0x6f: {  	_ =	shalt  }
0x70: {  	_ =	shalt  }
0x71: {  	_ =	shalt  }
0x72: {  	_ =	shalt  }
0x73: {  	_ =	shalt  }
0x74: {  	_ =	shalt  }
0x75: {  	_ =	shalt  }
0x76: {  	_ =	shalt  }
0x77: {  	_ =	shalt  }
0x78: {  	_ =	shalt  }
0x79: {  	_ =	shalt  }
0x7a: {  	_ =	shalt  }
0x7b: {  	_ =	shalt  }
0x7c: {  	_ =	shalt  }
0x7d: {  	_ =	shalt  }
0x7e: {  	_ =	shalt  }
0x7f: {  	_ =	shalt  }
0x80: {  	_ =	shalt  }
0x81: {  	_ =	shalt  }
0x82: {  	_ =	shalt  }
0x83: {  	_ =	shalt  }
0x84: {  	_ =	shalt  }
0x85: {  	_ =	shalt  }
0x86: {  	_ =	shalt  }
0x87: {  	_ =	shalt  }
.Lfunc_end0:
.L_simem_size_0:
called_computation.1_lowered:
.L_overlay_start_0:
0x88: {  	s2 =	sld [smem:$0x3FD9]  }
0x89: {  	s3 =	sld [smem:$0x3FFE];
	_ =	sdelay $0x1  }
0x8a: {  	s1 =	srdreg.scid  }
0x8b: {  	s0 =	sand.u32 $0x1, s1  }
0x8c: {  	s17 =	sshll.u32 s0, $0xA;
	s2 =	sadd.s32 s3, s2  }
0x8d: {  	s2 =	sadd.s32 s2, s17  }
0x8e: {  	[smem:$0x3FC6] =	sst s2  }
0x8f: {  	_ = 	snop  }
0x90: {  	s2 =	sld [smem:$0x3FD0];
	(tm) =	ssettm $0x1  }
0x91: {  	s18 =	sld [smem:$0x3FFB];
	_ =	sdelay $0x3  }
0x92: {  	_ =	strace s18  }
0x93: {  	s3 =	sld [smem:$0x3FFC];
	_ =	sdelay $0x3  }
0x94: {  	_ =	strace s3  }
0x95: {  	s3 =	sld [smem:$0x3FFD];
	_ =	sdelay $0x3  }
0x96: {  	_ =	strace s3  }
0x97: {  	_ =	strace $0x8FFFFFFF  }
0x98: {  	s19 =	sld [smem:$0x3FDB];
	_ =	sdelay $0x1  }
0x99: {  	s4 =	simm.s32 $_scs_section_size  }
0x9a: {  	s5 =	simm.s32 $_size__tile_overlayer_lowered;
	s6 =	simm.s32 $_tile_overlayer_lowered  }
0x9b: {  	s22 =	simm.s32 $0x1BFF;
	s21 =	sshll.u32 s6, $0x1;
	s3 =	sadd.s32 s4, s19  }
0x9c: {  	s7 =	simm.s32 $0x0;
	s20 =	sshll.u32 s5, $0x1;
	s5 =	sadd.s32 s21, s3  }
0x9d: {  	[timem:s7], [sflag:s22] =	dma.local [hbm:s5], s20  }
0x9e: {  	_ =	swait.ge [sflag:s22], s20  }
0x9f: {  	s4 =	ssub.s32 $0x0, s20;
	[sflag:s22] =	ssyncset.done $0x0  }
0xa0: {  	[sflag:s22] =	ssyncadd.s32 s4;
	_ =	sdelay $0x1  }
0xa1: {  	s23 =	simm.s32 $0x1B8B  }
0xa2: {  	_ =	swait.ge [sflag:s23], $0x1  }
0xa3: {  	[sflag:s23] =	ssyncset.done $0x0  }
0xa4: {  	s25 =	simm.s32 $0x1B8E;
	s24 =	sld [smem:$0x3FFE];
	[sflag:s23] =	ssyncadd.s32 $0xFFFFFFFF  }
0xa5: {  	s26 =	simm.s32 $execute0_lowered;
	[smem:$0x3FD2] =	sst s25  }
0xa6: {  	s5 =	sshll.u32 s26, $0x1;
	_ =	strace $0x80000046;
	[dreg:$0x1] =	wrdreg $0xFFFFFFFF  }
0xa7: {  	s28 =	simm.s32 $_size_execute0_lowered;
	s3 =	sadd.s32 s3, s5;
	[dreg:$0x0] =	wrdreg $0x0  }
0xa8: {  	s5 =	sshll.u32 s28, $0x1;
	[dreg:$0x2] =	wrdreg s3  }
0xa9: {  	[dreg:$0x3] =	wrdreg s5  }
0xaa: {  	[dreg:$0x4] =	wrdreg $0xC0  }
0xab: {  	_ =	task [dreg:s7], $0x5FFFF  }
0xac: {  	[dreg:$0x1] =	wrdreg $0xFFFFFFFF  }
0xad: {  	[dreg:$0x0] =	wrdreg $0x60  }
0xae: {  	[dreg:$0x2] =	wrdreg s24  }
0xaf: {  	[dreg:$0x3] =	wrdreg s2  }
0xb0: {  	[dreg:$0x4] =	wrdreg $0x9  }
0xb1: {  	_ =	task.clear_ibuf [dreg:s7], $0x5FFFF;
	_ =	strace $0x90000046  }
0xb2: {  	s29 =	simm.s32 $0x9;
	_ =	strace $0x80000048  }
0xb3: {  	_ =	swait.ge [sflag:s29], $0x1  }
0xb4: {  	[sflag:s29] =	ssyncadd.s32 $0xFFFFFFFF  }
0xb5: {  	_ =	strace $0x90000048  }
0xb6: {  	_ =	sfence  }
0xb7: {  	s30 =	sld [smem:$0x0];
	_ =	sdelay $0x2  }
0xb8: {  	s31 =	sshll.u32 s1, $0xD;
	s1 =	sshrl.u32 s1, $0x2  }
0xb9: {  	s3 =	sand.u32 $0x4000, s31;
	s1 =	sadd.s32 s1, s30  }
0xba: {  	s0 =	sor.u32 s3, s0;
	s1 =	sshll.u32 s1, $0x11  }
0xbb: {  	s0 =	sor.u32 s1, s0  }
0xbc: {  	s0 =	sadd.s32 $0x8F2B, s0  }
0xbd: {  	[sflag:s0] =	ssyncadd.remote.s32 $0x1  }
0xbe: {  	_ =	sfence.sel $0xFFFF  }
0xbf: {  	[dreg:$0x0] =	wrdreg $0xFFFFFFFF;
	(pc) =	sbr.abs _section_cstart, $3  }
0xc0: {  	[dreg:$0x1] =	wrdreg $0xFFFFFFFF  }
0xc1: {  	_ =	task.clear_ibuf [dreg:s7], $0x2FFFF;
	_ =	strace $0x9FFFFFFF  }
0xc2: {  	(tm) =	ssettm $0x7FFFFFFF  }
0xc3: {  	_ =	shalt  }
tec
execute0_lowered:
.L_overlay_start_1:
0x0: {  	(tag) =	ssettag $0x1  }
0x1: {  	s1 =	srdreg.scid;
	s4 =	rddreg [dreg:$0x0]  }
0x2: {  	s0 =	stileid.u32;
	s10 =	rddreg [dreg:$0x1]  }
0x3: {  	s2 =	simm.s32 $0x0;
	s18 =	simm.s32 $0x100;
	s24 =	smul.u32 $0xC8, s0  }
0x4: {  	s19 =	simm.s32 $0x8200;
	s20 =	simm.s32 $0x180;
	s26 =	smul.u32 $0x64000, s0  }
0x5: {  	s21 =	simm.s32 $0xC200;
	s9 =	sand.u32 $0x1, s1;
	s16 =	smul.u32 $0xC80, s0  }
0x6: {  	s22 =	simm.s32 $0x2;
	s1 =	rddreg [dreg:$0x2];
	s13 =	smul.u32 $0x64, s9  }
0x7: {  	s23 =	sshll.u32 s0, $0x1;
	[smem:$0x7FF] =	sst s2;
	s14 =	smul.u32 $0x32000, s9  }
0x8: {  	s12 =	sadd.s32 $0xA00, s4;
	s3 =	sor.u32 s9, s23;
	s17 =	smul.u32 $0x640, s9  }
0x9: {  	s5 =	ssub.s32 $0x2, s9;
	_ =	strace $0x80000047;
	s7 =	smul.u32 $0x64, s3  }
0xa: {  	s23 =	simm.s32 $0x3;
	s6 =	smul.u32 $0x640, s3;
	s8 =	sshrl.u32 s5, $0x1  }
0xb: {  	s11 =	smul.u32 $0x32000, s3;
	s3 =	sadd.s32 $0xA4000, s4;
	s29 =	sadd.s32 s16, s12  }
0xc: {  	s16 =	simm.s32 $0x4200;
	s5 =	ssub.s32 s5, s8;
	s8 =	sadd.s32 s13, s24  }
0xd: {  	s31 =	sadd.s32 s17, s29;
	s13 =	simm.s32 $0x4;
	s17 =	simm.s32 $0x1  }
0xe: {  	s24 =	simm.s32 $0x0;
	s4 =	smax.u32 s5, $0x1;
	s5 =	sadd.s32 s12, s6  }
0xf: {  	s6 =	sadd.s32 s10, s11;
	s25 =	sor.u32 $0x2, s7;
	s8 =	sadd.s32 $0x6, s8  }
0x10: {  	s7 =	sshll.u32 s25, $0x4;
	s11 =	sshll.u32 s25, $0xB;
	s15 =	sshrl.u32 s8, $0x1  }
0x11: {  	s7 =	sadd.s32 s12, s7;
	s8 =	sadd.s32 s10, s11;
	s28 =	sshll.u32 s15, $0xC  }
0x12: {  	s30 =	sshll.u32 s15, $0x5;
	s9 =	sadd.s32 s28, s10;
	s10 =	sadd.s32 s26, s10  }
0x13: {  	s15 =	simm.s32 $0x200;
	s14 =	sadd.s32 s14, s10;
	s10 =	sadd.s32 s30, s12  }
0x14: {  	s12 =	sadd.s32 $0x40, s31;
	s11 =	sadd.s32 $0x2000, s14;
	s14 =	simm.s32 $0x80  }
.LBB2_1:
0x15: {  	[tilespmem:s2], [sflag:$0x4] =	stream.linear.gather [hbm4b:s5+s2], $0x100, $0x38;
	[tilespmem:$0x10200] =	vst v63  }
0x16: {  	_ =	swait.ge [sflag:s13], $0x100  }
0x17: {  	[sflag:s13] =	ssyncset.done $0x0  }
0x18: {  	[sflag:s13] =	ssyncadd.s32 $0xFFFFFF00  }
0x19: {  	[tilespmem:s15], [sflag:$0x1] =	stream.indirect.gather [hbm4b:s3+s14], $0x80, s2, s14, $0xb8;
	[tilespmem:$0x10200] =	vst v63  }
0x1a: {  	_ = 	snop  }
0x1b: {  	[tilespmem:s16], [sflag:$0x1] =	stream.indirect.gather [hbm4b:s3+s14], $0x80, s14, s14, $0xb8;
	[tilespmem:$0x10200] =	vst v63  }
0x1c: {  	_ =	swait.ge [sflag:s17], $0x4000  }
0x1d: {  	[sflag:s17] =	ssyncset.done $0x0  }
0x1e: {  	[sflag:s17] =	ssyncadd.s32 $0xFFFFC000  }
0x1f: {  	_ =	swait.ge [sflag:s17], $0x4000  }
0x20: {  	[sflag:s17] =	ssyncset.done $0x0  }
0x21: {  	[sflag:s17] =	ssyncadd.s32 $0xFFFFC000  }
0x22: {  	[hbm4b:s6+s2] =	stream.linear.scatter [tilespmem:s15], [sflag:$0x2], $0x8000, $0x38;
	[tilespmem:$0x10200] =	vst v63  }
0x23: {  	_ = 	snop  }
0x24: {  	[tilespmem:s18], [sflag:$0x4] =	stream.linear.gather [hbm4b:s7+s2], $0x100, $0x38;
	[tilespmem:$0x10200] =	vst v63  }
0x25: {  	_ =	swait.ge [sflag:s13], $0x100  }
0x26: {  	[sflag:s13] =	ssyncset.done $0x0  }
0x27: {  	[sflag:s13] =	ssyncadd.s32 $0xFFFFFF00  }
0x28: {  	[tilespmem:s19], [sflag:$0x1] =	stream.indirect.gather [hbm4b:s3+s14], $0x80, s18, s14, $0xb8;
	[tilespmem:$0x10200] =	vst v63  }
0x29: {  	_ = 	snop  }
0x2a: {  	[tilespmem:s21], [sflag:$0x1] =	stream.indirect.gather [hbm4b:s3+s14], $0x80, s20, s14, $0xb8;
	[tilespmem:$0x10200] =	vst v63  }
0x2b: {  	_ =	swait.ge [sflag:s17], $0x4000  }
0x2c: {  	[sflag:s17] =	ssyncset.done $0x0  }
0x2d: {  	[sflag:s17] =	ssyncadd.s32 $0xFFFFC000  }
0x2e: {  	_ =	swait.ge [sflag:s17], $0x4000  }
0x2f: {  	[sflag:s17] =	ssyncset.done $0x0  }
0x30: {  	[sflag:s17] =	ssyncadd.s32 $0xFFFFC000  }
0x31: {  	[hbm4b:s8+s2] =	stream.linear.scatter [tilespmem:s19], [sflag:$0x3], $0x8000, $0x38;
	[tilespmem:$0x10200] =	vst v63  }
0x32: {  	_ =	swait.ge [sflag:s22], $0x8000  }
0x33: {  	[sflag:s22] =	ssyncset.done $0x0  }
0x34: {  	s25 =	sadd.s32 $0x0, s12;
	[sflag:s22] =	ssyncadd.s32 $0xFFFF8000  }
0x35: {  	[tilespmem:s2], [sflag:$0x4] =	stream.linear.gather [hbm4b:s25+s2], $0x100, $0x38;
	[tilespmem:$0x10200] =	vst v63  }
0x36: {  	_ =	swait.ge [sflag:s13], $0x100  }
0x37: {  	[sflag:s13] =	ssyncset.done $0x0  }
0x38: {  	[sflag:s13] =	ssyncadd.s32 $0xFFFFFF00  }
0x39: {  	[tilespmem:s15], [sflag:$0x1] =	stream.indirect.gather [hbm4b:s3+s14], $0x80, s2, s14, $0xb8;
	[tilespmem:$0x10200] =	vst v63  }
0x3a: {  	_ = 	snop  }
0x3b: {  	[tilespmem:s16], [sflag:$0x1] =	stream.indirect.gather [hbm4b:s3+s14], $0x80, s14, s14, $0xb8;
	[tilespmem:$0x10200] =	vst v63  }
0x3c: {  	_ =	swait.ge [sflag:s17], $0x4000  }
0x3d: {  	[sflag:s17] =	ssyncset.done $0x0  }
0x3e: {  	[sflag:s17] =	ssyncadd.s32 $0xFFFFC000  }
0x3f: {  	_ =	swait.ge [sflag:s17], $0x4000  }
0x40: {  	[sflag:s17] =	ssyncset.done $0x0  }
0x41: {  	[sflag:s17] =	ssyncadd.s32 $0xFFFFC000  }
0x42: {  	[hbm4b:s11+s2] =	stream.linear.scatter [tilespmem:s15], [sflag:$0x2], $0x8000, $0x38;
	[tilespmem:$0x10200] =	vst v63  }
0x43: {  	_ =	swait.ge [sflag:s23], $0x8000  }
0x44: {  	[sflag:s23] =	ssyncset.done $0x0  }
0x45: {  	s31 =	sadd.s32 $0x0, s10;
	[sflag:s23] =	ssyncadd.s32 $0xFFFF8000  }
0x46: {  	[tilespmem:s18], [sflag:$0x4] =	stream.linear.gather [hbm4b:s31+s2], $0x100, $0x38;
	[tilespmem:$0x10200] =	vst v63  }
0x47: {  	_ =	swait.ge [sflag:s13], $0x100  }
0x48: {  	[sflag:s13] =	ssyncset.done $0x0  }
0x49: {  	[sflag:s13] =	ssyncadd.s32 $0xFFFFFF00  }
0x4a: {  	[tilespmem:s19], [sflag:$0x1] =	stream.indirect.gather [hbm4b:s3+s14], $0x80, s18, s14, $0xb8;
	[tilespmem:$0x10200] =	vst v63  }
0x4b: {  	_ = 	snop  }
0x4c: {  	[tilespmem:s21], [sflag:$0x1] =	stream.indirect.gather [hbm4b:s3+s14], $0x80, s20, s14, $0xb8;
	[tilespmem:$0x10200] =	vst v63  }
0x4d: {  	_ =	swait.ge [sflag:s17], $0x4000  }
0x4e: {  	[sflag:s17] =	ssyncset.done $0x0  }
0x4f: {  	[sflag:s17] =	ssyncadd.s32 $0xFFFFC000  }
0x50: {  	_ =	swait.ge [sflag:s17], $0x4000  }
0x51: {  	s26 =	sadd.s32 $0x2000, s9;
	s28 =	sadd.s32 $0x2000, s11;
	[sflag:s17] =	ssyncset.done $0x0  }
0x52: {  	s29 =	smov.u32 s9;
	s25 =	simm.s32 $0x40;
	[sflag:s17] =	ssyncadd.s32 $0xFFFFC000  }
.LBB2_2:
0x53: {  	[hbm4b:s29+s2] =	stream.linear.scatter [tilespmem:s19], [sflag:$0x3], $0x8000, $0x38;
	[tilespmem:$0x10200] =	vst v63  }
0x54: {  	s30 =	smov.u32 s25;
	s29 =	smov.u32 s26  }
0x55: {  	p0 =	sne.s32 s25, $0x5C0;
	s25 =	sadd.s32 $0x40, s25;
	_ =	swait.ge [sflag:s22], $0x8000  }
0x56: {  	[sflag:s22] =	ssyncset.done $0x0  }
0x57: {  	s31 =	sadd.s32 s30, s12;
	[sflag:s22] =	ssyncadd.s32 $0xFFFF8000  }
0x58: {  	[tilespmem:s2], [sflag:$0x4] =	stream.linear.gather [hbm4b:s31+s2], $0x100, $0x38;
	[tilespmem:$0x10200] =	vst v63  }
0x59: {  	_ =	swait.ge [sflag:s13], $0x100  }
0x5a: {  	[sflag:s13] =	ssyncset.done $0x0  }
0x5b: {  	[sflag:s13] =	ssyncadd.s32 $0xFFFFFF00  }
0x5c: {  	[tilespmem:s15], [sflag:$0x1] =	stream.indirect.gather [hbm4b:s3+s14], $0x80, s2, s14, $0xb8;
	[tilespmem:$0x10200] =	vst v63  }
0x5d: {  	_ = 	snop  }
0x5e: {  	[tilespmem:s16], [sflag:$0x1] =	stream.indirect.gather [hbm4b:s3+s14], $0x80, s14, s14, $0xb8;
	[tilespmem:$0x10200] =	vst v63  }
0x5f: {  	_ =	swait.ge [sflag:s17], $0x4000  }
0x60: {  	[sflag:s17] =	ssyncset.done $0x0  }
0x61: {  	[sflag:s17] =	ssyncadd.s32 $0xFFFFC000  }
0x62: {  	_ =	swait.ge [sflag:s17], $0x4000  }
0x63: {  	[sflag:s17] =	ssyncset.done $0x0  }
0x64: {  	[sflag:s17] =	ssyncadd.s32 $0xFFFFC000  }
0x65: {  	[hbm4b:s28+s2] =	stream.linear.scatter [tilespmem:s15], [sflag:$0x2], $0x8000, $0x38;
	[tilespmem:$0x10200] =	vst v63  }
0x66: {  	_ =	swait.ge [sflag:s23], $0x8000  }
0x67: {  	[sflag:s23] =	ssyncset.done $0x0  }
0x68: {  	s30 =	sadd.s32 s30, s10;
	[sflag:s23] =	ssyncadd.s32 $0xFFFF8000  }
0x69: {  	[tilespmem:s18], [sflag:$0x4] =	stream.linear.gather [hbm4b:s30+s2], $0x100, $0x38;
	[tilespmem:$0x10200] =	vst v63  }
0x6a: {  	_ =	swait.ge [sflag:s13], $0x100  }
0x6b: {  	[sflag:s13] =	ssyncset.done $0x0  }
0x6c: {  	[sflag:s13] =	ssyncadd.s32 $0xFFFFFF00  }
0x6d: {  	[tilespmem:s19], [sflag:$0x1] =	stream.indirect.gather [hbm4b:s3+s14], $0x80, s18, s14, $0xb8;
	[tilespmem:$0x10200] =	vst v63  }
0x6e: {  	_ = 	snop  }
0x6f: {  	[tilespmem:s21], [sflag:$0x1] =	stream.indirect.gather [hbm4b:s3+s14], $0x80, s20, s14, $0xb8;
	[tilespmem:$0x10200] =	vst v63  }
0x70: {  	_ =	swait.ge [sflag:s17], $0x4000  }
.Ltmp0:
0x71: {  	[sflag:s17] =	ssyncset.done $0x0;
	(pc) =	sbr.rel @p0 .LBB2_2-.Ltmp0, $4  }
0x72: {  	[sflag:s17] =	ssyncadd.s32 $0xFFFFC000  }
0x73: {  	_ =	swait.ge [sflag:s17], $0x4000  }
0x74: {  	[sflag:s17] =	ssyncset.done $0x0  }
0x75: {  	s26 =	sadd.s32 $0x2000, s26;
	s28 =	sadd.s32 $0x2000, s28;
	[sflag:s17] =	ssyncadd.s32 $0xFFFFC000  }
0x76: {  	[hbm4b:s29+s2] =	stream.linear.scatter [tilespmem:s19], [sflag:$0x3], $0x8000, $0x38;
	[tilespmem:$0x10200] =	vst v63  }
0x77: {  	s24 =	sadd.s32 $0x1, s24  }
0x78: {  	_ =	swait.ge [sflag:s22], $0x8000;
	p0 =	sne.s32 s24, s4  }
.Ltmp1:
0x79: {  	[sflag:s22] =	ssyncset.done $0x0;
	(pc) =	sbr.rel @p0 .LBB2_1-.Ltmp1, $4  }
0x7a: {  	[sflag:s22] =	ssyncadd.s32 $0xFFFF8000  }
0x7b: {  	_ =	swait.ge [sflag:s23], $0x8000  }
0x7c: {  	[sflag:s23] =	ssyncset.done $0x0  }
0x7d: {  	[sflag:s23] =	ssyncadd.s32 $0xFFFF8000  }
0x7e: {  	_ =	sfence.sel $0x180000  }
0x7f: {  	[bflag:$0x0] =	sbarrier.arrive $0xFFFF  }
0x80: {  	p0 =	sne.s32 s0, $0x0;
	_ =	strace $0x90000047  }
0x81: {  	s0 =	sadd.s32 @!p0 $0x100000, s1;
	[bflag:$0x2] =	sbarrier.arrive $0xFFFF  }
0x82: {  	[sflag:s0] =	ssyncadd.tile.s32 @!p0 $0x1;
	_ =	shalt  }
.Lfunc_end2:
_tile_overlayer_lowered:
.L_overlay_start_2:
0x83: {  	(tag) =	ssettag $0x2  }
0x84: {  	s0 =	rddreg [dreg:$0x0];
	s2 =	stileid.u32  }
0x85: {  	s1 =	rddreg [dreg:$0x1];
	p0 =	sne.s32 s2, $0x0  }
0x86: {  	s3 =	rddreg [dreg:$0x2];
	[bflag:$0x3] =	sbarrier.arrive $0xFFFF;
	s2 =	simm.s32 @!p0 $0x1C04  }
0x87: {  	[timem:s3], [sflag:s2] =	dma.local @!p0 [hbm:s0], s1  }
0x88: {  	s0 =	simm.s32 @!p0 $0x4  }
0x89: {  	_ =	swait.ge @!p0 [sflag:s0], s1  }
0x8a: {  	s1 =	ssub.s32 @!p0 $0x0, s1;
	[sflag:s0] =	ssyncset.done @!p0 $0x0  }
0x8b: {  	[sflag:s0] =	ssyncadd.s32 @!p0 s1  }
0x8c: {  	[bflag:$0x3] =	sbarrier.arrive $0xFFFF  }
0x8d: {  	_ =	shalt  }

// kernel: sparse-core-data-format-call.cloned.1.call-start
scs
called_computation_lowered:
.L_overlay_start_0:
0x0: {  	s2 =	sld [smem:$0x3FD9]  }
0x1: {  	s3 =	sld [smem:$0x3FFE];
	_ =	sdelay $0x1  }
0x2: {  	s1 =	srdreg.scid  }
0x3: {  	s0 =	sand.u32 $0x1, s1  }
0x4: {  	s18 =	sshll.u32 s0, $0xA;
	s2 =	sadd.s32 s3, s2  }
0x5: {  	s2 =	sadd.s32 s2, s18  }
0x6: {  	[smem:$0x3FC6] =	sst s2  }
0x7: {  	_ = 	snop  }
0x8: {  	s2 =	sld [smem:$0x3FD0];
	(tm) =	ssettm $0x1  }
0x9: {  	s19 =	sld [smem:$0x3FFB];
	_ =	sdelay $0x3  }
0xa: {  	_ =	strace s19  }
0xb: {  	s3 =	sld [smem:$0x3FFC];
	_ =	sdelay $0x3  }
0xc: {  	_ =	strace s3  }
0xd: {  	s3 =	sld [smem:$0x3FFD];
	_ =	sdelay $0x3  }
0xe: {  	_ =	strace s3  }
0xf: {  	_ =	strace $0x8FFFFFFF  }
0x10: {  	s20 =	sld [smem:$0x3FDB];
	_ =	sdelay $0x1  }
0x11: {  	s4 =	simm.s32 $_scs_section_size  }
0x12: {  	s5 =	simm.s32 $_size__tile_overlayer_lowered;
	s6 =	simm.s32 $_tile_overlayer_lowered  }
0x13: {  	s23 =	simm.s32 $0x1BFF;
	s22 =	sshll.u32 s6, $0x1;
	s3 =	sadd.s32 s4, s20  }
0x14: {  	s7 =	simm.s32 $0x0;
	s21 =	sshll.u32 s5, $0x1;
	s5 =	sadd.s32 s22, s3  }
0x15: {  	[timem:s7], [sflag:s23] =	dma.local [hbm:s5], s21  }
0x16: {  	_ =	swait.ge [sflag:s23], s21  }
0x17: {  	s4 =	ssub.s32 $0x0, s21;
	[sflag:s23] =	ssyncset.done $0x0  }
0x18: {  	[sflag:s23] =	ssyncadd.s32 s4;
	_ =	sdelay $0x1  }
0x19: {  	s24 =	simm.s32 $0x1B8B  }
0x1a: {  	_ =	swait.ge [sflag:s24], $0x1  }
0x1b: {  	[sflag:s24] =	ssyncset.done $0x0  }
0x1c: {  	s26 =	simm.s32 $0x1B8E;
	s25 =	sld [smem:$0x3FFE];
	[sflag:s24] =	ssyncadd.s32 $0xFFFFFFFF  }
0x1d: {  	s27 =	simm.s32 $execute0_lowered;
	[smem:$0x3FD2] =	sst s26  }
0x1e: {  	s5 =	sshll.u32 s27, $0x1;
	_ =	strace $0x80000049;
	[dreg:$0x1] =	wrdreg $0xFFFFFFFF  }
0x1f: {  	s28 =	simm.s32 $_size_execute0_lowered;
	s3 =	sadd.s32 s3, s5;
	[dreg:$0x0] =	wrdreg $0x0  }
0x20: {  	s5 =	sshll.u32 s28, $0x1;
	[dreg:$0x2] =	wrdreg s3  }
0x21: {  	[dreg:$0x3] =	wrdreg s5  }
0x22: {  	[dreg:$0x4] =	wrdreg $0xC0  }
0x23: {  	_ =	task [dreg:s7], $0x5FFFF  }
0x24: {  	[dreg:$0x1] =	wrdreg $0xFFFFFFFF  }
0x25: {  	[dreg:$0x0] =	wrdreg $0x60  }
0x26: {  	[dreg:$0x2] =	wrdreg s25  }
0x27: {  	[dreg:$0x3] =	wrdreg s2  }
0x28: {  	[dreg:$0x4] =	wrdreg $0x9  }
0x29: {  	_ =	task.clear_ibuf [dreg:s7], $0x5FFFF;
	_ =	strace $0x90000049  }
0x2a: {  	s29 =	simm.s32 $0x9;
	_ =	strace $0x8000004B  }
0x2b: {  	_ =	swait.ge [sflag:s29], $0x1  }
0x2c: {  	[sflag:s29] =	ssyncadd.s32 $0xFFFFFFFF  }
0x2d: {  	_ =	strace $0x9000004B  }
0x2e: {  	_ =	sfence  }
0x2f: {  	s30 =	sld [smem:$0x0];
	_ =	sdelay $0x2  }
0x30: {  	s31 =	sshll.u32 s1, $0xD;
	s1 =	sshrl.u32 s1, $0x2  }
0x31: {  	s3 =	sand.u32 $0x4000, s31;
	s1 =	sadd.s32 s1, s30  }
0x32: {  	s0 =	sor.u32 s3, s0;
	s1 =	sshll.u32 s1, $0x11  }
0x33: {  	s0 =	sor.u32 s1, s0  }
0x34: {  	s0 =	sadd.s32 $0x8F2B, s0  }
0x35: {  	[sflag:s0] =	ssyncadd.remote.s32 $0x1  }
0x36: {  	_ =	sfence.sel $0xFFFF  }
0x37: {  	[dreg:$0x0] =	wrdreg $0xFFFFFFFF;
	(pc) =	sbr.abs _section_cstart, $3  }
0x38: {  	[dreg:$0x1] =	wrdreg $0xFFFFFFFF  }
0x39: {  	_ =	task.clear_ibuf [dreg:s7], $0x2FFFF;
	_ =	strace $0x9FFFFFFF  }
0x3a: {  	(tm) =	ssettm $0x7FFFFFFF  }
0x3b: {  	_ =	shalt  }
tec
execute0_lowered:
.L_overlay_start_1:
0x0: {  	(tag) =	ssettag $0x1  }
0x1: {  	s0 =	srdreg.scid  }
0x2: {  	s1 =	sshll.u32 s0, $0x4  }
0x3: {  	s0 =	stileid.u32;
	s1 =	sand.u32 $0x10, s1  }
0x4: {  	s1 =	sor.u32 s0, s1  }
0x5: {  	s6 =	rddreg [dreg:$0x0];
	s4 =	simm.s32 $0x1;
	s2 =	sshll.u32 s1, $0x7  }
0x6: {  	s7 =	simm.s32 $0x2;
	s12 =	simm.s32 $0x0;
	s1 =	ssub.s32 $0x1000, s2  }
0x7: {  	s8 =	simm.s32 $0x8000;
	s13 =	simm.s32 $0x0;
	s3 =	sand.u32 $0xF80, s1  }
0x8: {  	s9 =	simm.s32 $0x0;
	s5 =	sshrl.u32 s1, $0xC;
	p0 =	sne.s32 s3, $0x0  }
.Ltmp0:
0x9: {  	s1 =	rddreg [dreg:$0x2];
	s4 =	simm.s32 @!p0 $0x0;
	(pc) =	sbr.rel .LBB1_1-.Ltmp0, $4  }
0xa: {  	s11 =	simm.s32 $0x0;
	s3 =	rddreg [dreg:$0x1];
	s5 =	sadd.s32 s4, s5  }
0xb: {  	_ =	strace $0x8000004A;
	s4 =	simm.s32 $0x1;
	s5 =	smul.u32 $0xC8, s5  }
0xc: {  	s6 =	sadd.s32 $0xA00, s6;
	s10 =	smov.u32 s2;
	[sflag:s4] =	ssyncpa.u1 $0x0  }
0xd: {  	p0 =	por $0x0, $0x0;
	[sflag:s7] =	ssyncpa.u1 $0x0;
	s7 =	sor.u32 $0x1, s5  }
.LBB1_4:
0xe: {  	s16 =	sshll.u32 s13, $0x3;
	s17 =	sand.u32 $0x78, s13  }
0xf: {  	s30 =	sand.u32 $0x7E00, s13;
	s12 =	sshll.u32 s12, $0xF;
	s16 =	sand.u32 $0xC00, s16  }
0x10: {  	[tilespmem:s15+$0x810 ss:$0x81] =	vst.msk $0xffff, v2;
	s31 =	sand.u32 $0x7, s13;
	s16 =	sor.u32 s17, s16;
	s17 =	sadd.s32 s3, s30  }
0x11: {  	[tilespmem:s15+$0x1020 ss:$0x81] =	vst.msk $0xffff, v0;
	s13 =	sshll.u32 s31, $0x12;
	s12 =	sadd.s32 s12, s17;
	s16 =	sshrl.u32 s16, $0x3  }
0x12: {  	[tilespmem:s15+$0x0 ss:$0x81] =	vst.msk $0xffff, v1;
	s13 =	sor.u32 $0x400, s13;
	s12 =	sadd.s32 s16, s12  }
0x13: {  	[hbm4b:s12+s13] =	stream.strided.scatter [tilespmem:s14], [sflag:$0x2], $0x2000, s8, s13, $0x20;
	[tilespmem:$0x8080] =	vst v63  }
.LBB1_5:
0x14: {  	s14 =	sadd.s32 $0x1, s9  }
0x15: {  	s12 =	sadd.s32 $0x1000, s10;
	s16 =	smov.u32 s10;
	p2 =	sgt.s32 s14, $0xC7  }
0x16: {  	s16 =	smov.u32 @p2 s12  }
0x17: {  	s14 =	simm.s32 @p2 $0x0;
	p2 =	sgt.s32 s16, $0xFFF  }
0x18: {  	s16 =	smov.u32 @p2 s2;
	p2 =	sne.s32 s11, s7  }
.Ltmp1:
0x19: {  	p1 =	slt.u32 s11, $0x2;
	(pc) =	sbr.rel @!p2 .LBB1_6-.Ltmp1, $4  }
0x1a: {  	s15 =	simm.s32 @!p1 $0x2  }
0x1b: {  	s13 =	smov.u32 s10;
	p0 =	por !p0, !p0;
	_ =	swait.ge @!p1 [sflag:s15], $0x2000  }
0x1c: {  	s12 =	smov.u32 s9;
	[sflag:s15] =	ssyncset.done @!p1 $0x0;
	s9 =	smov.u32 s14  }
0x1d: {  	s11 =	sadd.s32 $0x1, s11;
	[sflag:s15] =	ssyncadd.s32 @!p1 $0xFFFFE000;
	s10 =	smov.u32 s16  }
.LBB1_1:
0x1e: {  	p1 =	sge.u32 s11, s5  }
0x1f: {  	s14 =	sand.u32 @!p1 $0x1FFFFFF, s9  }
0x20: {  	s15 =	smulhi.u32 @!p1 $0x147AE15, s14;
	_ =	sdelay $0x1  }
0x21: {  	s15 =	smul.u32 @!p1 $0xC8, s15  }
0x22: {  	s16 =	sxor.u32 @!p1 $0xFFFFFFFF, s11;
	s17 =	smul.u32 @!p1 $0xC80, s10  }
0x23: {  	s31 =	sadd.s32 $0xFFFFFFFF, s11;
	s16 =	sshll.u32 @!p1 s16, $0xD;
	s14 =	ssub.s32 @!p1 s14, s15  }
0x24: {  	s15 =	sand.u32 @!p1 $0x2000, s16;
	s16 =	sadd.s32 @!p1 s6, s17;
	s14 =	sshll.u32 @!p1 s14, $0x4  }
0x25: {  	s17 =	simm.s32 @!p1 $0x6400;
	s14 =	sadd.s32 @!p1 s14, s16;
	s16 =	simm.s32 @!p1 $0x40  }
0x26: {  	[tilespmem:s15], [sflag:$0x1] =	stream.strided.gather @!p1 [hbm4b:s14+s16], $0x2000, s17, s16, $0x38;
	[tilespmem:$0x8080] =	vst v63  }
0x27: {  	p1 =	sge.u32 s31, s5  }
.Ltmp2:
0x28: {  	_ = 	snop;
	(pc) =	sbr.rel @p1 .LBB1_5-.Ltmp2, $1  }
0x29: {  	_ =	sdelay $0x3  }
0x2a: {  	s14 =	simm.s32 $0x1  }
0x2b: {  	_ =	swait.ge [sflag:s4], $0x2000;
	s14 =	simm.s32 @!p0 $0x0  }
0x2c: {  	[sflag:s4] =	ssyncset.done $0x0;
	s15 =	sshll.u32 s14, $0xD  }
0x2d: {  	[sflag:s4] =	ssyncadd.s32 $0xFFFFE000;
	s18 =	sor.u32 $0x20, s15  }
0x2e: {  	s14 =	smul.u32 $0x8100, s14;
	v3 =	vld [tilespmem:s18+$0x10]  }
0x2f: {  	s30 =	sand.u32 $0x1, s11;
	v2 =	vld [tilespmem:s18+$0xFFFFFFF0]  }
0x30: {  	s15 =	smul.u32 $0x8100, s30;
	s14 =	sshrl.u32 s14, $0x2;
	v0 =	vld [tilespmem:s18+$0x0]  }
0x31: {  	v1 =	vld [tilespmem:s18+$0xFFFFFFE0];
	s16 =	sor.u32 $0x4000, s14  }
0x32: {  	s31 =	sshrl.u32 s15, $0x2;
	s15 =	sadd.s32 $0x0, s16  }
0x33: {  	s17 =	simm.s32 $0x4;
	s18 =	sadd.s32 $0x40, s18;
	s14 =	sor.u32 $0x4000, s31;
	[tilespmem:s15+$0x1830 ss:$0x81] =	vst.msk $0xffff, v3  }
.LBB1_3:
0x34: {  	v3 =	vld [tilespmem:s18+$0x10];
	p1 =	sne.s32 s17, $0x1FC;
	[tilespmem:s15+$0x810 ss:$0x81] =	vst.msk $0xffff, v2;
	s19 =	smov.u32 s17;
	s17 =	sadd.s32 $0x4, s17  }
.Ltmp3:
0x35: {  	v2 =	vld [tilespmem:s18+$0xFFFFFFF0];
	[tilespmem:s15+$0x1020 ss:$0x81] =	vst.msk $0xffff, v0;
	(pc) =	sbr.rel @p1 .LBB1_3-.Ltmp3, $4  }
0x36: {  	v0 =	vld [tilespmem:s18+$0x0];
	[tilespmem:s15+$0x0 ss:$0x81] =	vst.msk $0xffff, v1  }
0x37: {  	s15 =	sshra.s32 s19, $0x2;
	v1 =	vld [tilespmem:s18+$0xFFFFFFE0]  }
0x38: {  	s15 =	sadd.s32 s15, s16  }
0x39: {  	s18 =	sadd.s32 $0x40, s18;
	[tilespmem:s15+$0x1830 ss:$0x81] =	vst.msk $0xffff, v3  }
.Ltmp4:
0x3a: {  	_ = 	snop;
	(pc) =	sbr.rel .LBB1_4-.Ltmp4, $1  }
0x3b: {  	_ =	sdelay $0x3  }
.LBB1_6:
0x3c: {  	_ =	sfence.sel $0x180000  }
0x3d: {  	s2 =	simm.s32 $0x1;
	[bflag:$0x0] =	sbarrier.arrive $0xFFFF  }
0x3e: {  	s31 =	simm.s32 $0x2;
	[sflag:s2] =	ssyncpa.u1 $0x1  }
0x3f: {  	[sflag:s31] =	ssyncpa.u1 $0x1  }
0x40: {  	p0 =	sne.s32 s0, $0x0;
	_ =	strace $0x9000004A  }
0x41: {  	s0 =	sadd.s32 @!p0 $0x100000, s1;
	[bflag:$0x2] =	sbarrier.arrive $0xFFFF  }
0x42: {  	[sflag:s0] =	ssyncadd.tile.s32 @!p0 $0x1;
	_ =	shalt  }
.Lfunc_end1:
_tile_overlayer_lowered:
.L_overlay_start_2:
0x43: {  	(tag) =	ssettag $0x2  }
0x44: {  	s0 =	rddreg [dreg:$0x0];
	s2 =	stileid.u32  }
0x45: {  	s1 =	rddreg [dreg:$0x1];
	p0 =	sne.s32 s2, $0x0  }
0x46: {  	s3 =	rddreg [dreg:$0x2];
	[bflag:$0x3] =	sbarrier.arrive $0xFFFF;
	s2 =	simm.s32 @!p0 $0x1C01  }
0x47: {  	[timem:s3], [sflag:s2] =	dma.local @!p0 [hbm:s0], s1  }
0x48: {  	s0 =	simm.s32 @!p0 $0x1  }
0x49: {  	_ =	swait.ge @!p0 [sflag:s0], s1  }
0x4a: {  	s1 =	ssub.s32 @!p0 $0x0, s1;
	[sflag:s0] =	ssyncset.done @!p0 $0x0  }
0x4b: {  	[sflag:s0] =	ssyncadd.s32 @!p0 s1  }
0x4c: {  	[bflag:$0x3] =	sbarrier.arrive $0xFFFF  }
0x4d: {  	_ =	shalt  }

</sc_bundles>
